<compile_context>
chip_gen: v7x
topology: tpu7x:2x2x1
jax: 0.10.2.dev20260603
libtpu: 0.0.44.dev20260713+nightly
codegen_flags: <defaults>
</compile_context>

<pallas_src>
import functools

import jax
import jax.numpy as jnp
import numpy as np
from jax import lax
from jax.experimental import pallas as pl
from jax.experimental.pallas import tpu as pltpu
from jax.experimental.pallas import tpu_sc as plsc

N = 10000
NW = 32
NSUB = 16
CHUNK = 128
CPW = 79
E_PAD = NW * CPW * CHUNK
N1 = 10112
RPT = N1 // NSUB



def _prep_body(src_ref, dst_ref, out_ref):
    s = src_ref[...]
    d = dst_ref[...]
    out_ref[...] = jnp.where(s == d, N, d)


def _prep(srcm, dstm):
    rows = srcm.shape[0]
    return pl.pallas_call(
        _prep_body,
        out_shape=jax.ShapeDtypeStruct((rows, CHUNK), jnp.int32),
    )(srcm, dstm)


def _mm_body(x_ref, w_ref, o_ref):
    o_ref[...] = lax.dot_general(
        x_ref[...], w_ref[...], (((1,), (1,)), ((), ())),
        preferred_element_type=jnp.float32)


def _mm(x, w):
    fo = w.shape[0]
    blk = 2000
    return pl.pallas_call(
        _mm_body,
        grid=(N // blk,),
        in_specs=[
            pl.BlockSpec((blk, x.shape[1]), lambda i: (i, np.int32(0))),
            pl.BlockSpec(w.shape, lambda i: (np.int32(0), np.int32(0))),
        ],
        out_specs=pl.BlockSpec((blk, fo), lambda i: (i, np.int32(0))),
        out_shape=jax.ShapeDtypeStruct((N, fo), jnp.float32),
    )(x, w)


def _ep_mm_body(sa_ref, sb_ref, g_ref, da_ref, db_ref, b_ref, w_ref, o_ref):
    r = 1.0 / (da_ref[...] + db_ref[...] + 2.0)
    h = (sa_ref[...] + sb_ref[...] + 2.0 * g_ref[...]) * r + b_ref[...]
    h = jnp.maximum(h, 0.0)
    y = lax.dot_general(
        h, w_ref[...], (((1,), (1,)), ((), ())),
        preferred_element_type=jnp.float32)
    pad = o_ref.shape[1] - y.shape[1]
    if pad:
        y = jnp.concatenate([y, jnp.zeros((y.shape[0], pad), y.dtype)], axis=1)
    o_ref[...] = y


def _ep_mm(sa, sb, g, da, db, b, w, pad_to=None):
    fi = g.shape[1]
    fo = pad_to if pad_to is not None else w.shape[0]
    blk = 2000
    fspec = pl.BlockSpec((blk, fi), lambda i: (i, np.int32(0)))
    dspec = pl.BlockSpec((blk, 1), lambda i: (i, np.int32(0)))
    return pl.pallas_call(
        _ep_mm_body,
        grid=(N // blk,),
        in_specs=[
            fspec, fspec, fspec, dspec, dspec,
            pl.BlockSpec((1, fi), lambda i: (np.int32(0), np.int32(0))),
            pl.BlockSpec(w.shape, lambda i: (np.int32(0), np.int32(0))),
        ],
        out_specs=pl.BlockSpec((blk, fo), lambda i: (i, np.int32(0))),
        out_shape=jax.ShapeDtypeStruct((N, fo), jnp.float32),
    )(sa, sb, g, da, db, b, w)


def _ep_body(sa_ref, sb_ref, g_ref, da_ref, db_ref, b_ref, o_ref):
    r = 1.0 / (da_ref[...] + db_ref[...] + 2.0)
    o_ref[...] = (sa_ref[...] + sb_ref[...] + 2.0 * g_ref[...]) * r + b_ref[...]


def _ep(sa, sb, g, da, db, b):
    fo = g.shape[1]
    blk = 2000
    fspec = pl.BlockSpec((blk, fo), lambda i: (i, np.int32(0)))
    dspec = pl.BlockSpec((blk, 1), lambda i: (i, np.int32(0)))
    return pl.pallas_call(
        _ep_body,
        grid=(N // blk,),
        in_specs=[
            fspec, fspec, fspec, dspec, dspec,
            pl.BlockSpec((1, fo), lambda i: (np.int32(0), np.int32(0))),
        ],
        out_specs=fspec,
        out_shape=jax.ShapeDtypeStruct((N, fo), jnp.float32),
    )(sa, sb, g, da, db, b)



def _make_agg_deg(D):
    mesh = plsc.VectorSubcoreMesh(core_axis_name="c", subcore_axis_name="s")

    @functools.partial(
        pl.kernel, mesh=mesh,
        out_type=[
            jax.ShapeDtypeStruct((2 * N1, D), jnp.float32),
            jax.ShapeDtypeStruct((2 * N1,), jnp.float32),
        ],
        scratch_types=[
            pltpu.VMEM((CPW, CHUNK), jnp.int32),
            pltpu.VMEM((CPW, CHUNK), jnp.int32),
            pltpu.VMEM((CHUNK, D), jnp.float32),
            pltpu.VMEM((CHUNK,), jnp.float32),
            pltpu.VMEM((RPT,), jnp.float32),
            pltpu.VMEM_SHARED((N1, D), jnp.float32),
            pltpu.VMEM_SHARED((N1,), jnp.float32),
            pltpu.SemaphoreType.DMA,
        ],
    )
    def agg(g_hbm, srcw, dstw, z2, z1, ones_h, out_s, out_d,
            srcv, dstv, buf, onesv, dbuf, acc_s, acc_d, sem):
        cid = lax.axis_index("c")
        sid = lax.axis_index("s")
        wid = cid * NSUB + sid
        row0 = sid * RPT
        pltpu.sync_copy(z2, acc_s.at[pl.ds(row0, RPT)])
        pltpu.sync_copy(z1, dbuf)
        pltpu.sync_copy(dbuf, acc_d.at[pl.ds(row0, RPT)])
        pltpu.sync_copy(srcw.at[wid], srcv)
        pltpu.sync_copy(dstw.at[wid], dstv)
        pltpu.sync_copy(ones_h, onesv)
        plsc.subcore_barrier()

        def step(j, carry):
            pltpu.async_copy(g_hbm.at[srcv.at[j]], buf, sem).wait()
            pltpu.sync_copy(buf, acc_s.at[dstv.at[j]], add=True)
            pltpu.sync_copy(onesv, acc_d.at[dstv.at[j]], add=True)
            return carry

        lax.fori_loop(0, CPW, step, 0)
        plsc.subcore_barrier()
        obase = cid * N1 + row0
        pltpu.sync_copy(acc_s.at[pl.ds(row0, RPT)], out_s.at[pl.ds(obase, RPT)])
        pltpu.sync_copy(acc_d.at[pl.ds(row0, RPT)], dbuf)
        pltpu.sync_copy(dbuf, out_d.at[pl.ds(obase, RPT)])

    return agg


def _make_agg(D):
    mesh = plsc.VectorSubcoreMesh(core_axis_name="c", subcore_axis_name="s")

    @functools.partial(
        pl.kernel, mesh=mesh,
        out_type=jax.ShapeDtypeStruct((2 * N1, D), jnp.float32),
        scratch_types=[
            pltpu.VMEM((CPW, CHUNK), jnp.int32),
            pltpu.VMEM((CPW, CHUNK), jnp.int32),
            pltpu.VMEM((CHUNK, D), jnp.float32),
            pltpu.VMEM_SHARED((N1, D), jnp.float32),
            pltpu.SemaphoreType.DMA,
        ],
    )
    def agg(g_hbm, srcw, dstw, z2, out_s, srcv, dstv, buf, acc_s, sem):
        cid = lax.axis_index("c")
        sid = lax.axis_index("s")
        wid = cid * NSUB + sid
        row0 = sid * RPT
        pltpu.sync_copy(z2, acc_s.at[pl.ds(row0, RPT)])
        pltpu.sync_copy(srcw.at[wid], srcv)
        pltpu.sync_copy(dstw.at[wid], dstv)
        plsc.subcore_barrier()

        def step(j, carry):
            pltpu.async_copy(g_hbm.at[srcv.at[j]], buf, sem).wait()
            pltpu.sync_copy(buf, acc_s.at[dstv.at[j]], add=True)
            return carry

        lax.fori_loop(0, CPW, step, 0)
        plsc.subcore_barrier()
        obase = cid * N1 + row0
        pltpu.sync_copy(acc_s.at[pl.ds(row0, RPT)], out_s.at[pl.ds(obase, RPT)])

    return agg


_make_agg_deg = functools.lru_cache(None)(_make_agg_deg)
_make_agg = functools.lru_cache(None)(_make_agg)


def _agg_deg_128(*args):
    return _make_agg_deg(128)(*args)


def _agg_128(*args):
    return _make_agg(128)(*args)



def kernel(in_feat, edge_index, W0, b0, W1, b1, W2, b2):
    x = in_feat.astype(jnp.float32)
    src = edge_index[0].astype(jnp.int32)
    dst = edge_index[1].astype(jnp.int32)
    e = src.shape[0]
    pad = E_PAD - e
    srcp = jnp.concatenate([src, jnp.zeros((pad,), jnp.int32)])
    dstp = jnp.concatenate([dst, jnp.zeros((pad,), jnp.int32)])
    srcm = srcp.reshape(E_PAD // CHUNK, CHUNK)
    dstm = dstp.reshape(E_PAD // CHUNK, CHUNK)
    dst_eff = _prep(srcm, dstm)
    srcw = srcm.reshape(NW, CPW, CHUNK)
    dstw = dst_eff.reshape(NW, CPW, CHUNK)

    z2_128 = jnp.zeros((RPT, 128), jnp.float32)
    z1 = jnp.zeros((RPT,), jnp.float32)
    ones = jnp.ones((CHUNK,), jnp.float32)

    g0 = _mm(x, W0)
    s0, dg = _agg_deg_128(g0, srcw, dstw, z2_128, z1, ones)
    da = dg[:N].reshape(N, 1)
    db = dg[N1:N1 + N].reshape(N, 1)
    b0r = b0.reshape(1, -1).astype(jnp.float32)
    g1 = _ep_mm(s0[:N], s0[N1:N1 + N], g0, da, db, b0r, W1)
    s1 = _agg_128(g1, srcw, dstw, z2_128)
    b1r = b1.reshape(1, -1).astype(jnp.float32)
    g2 = _ep_mm(s1[:N], s1[N1:N1 + N], g1, da, db, b1r, W2, pad_to=128)
    s2 = _agg_128(g2, srcw, dstw, z2_128)
    b2r = b2.reshape(1, -1).astype(jnp.float32)
    return _ep(s2[:N, :64], s2[N1:N1 + N, :64], g2[:, :64], da, db, b2r)

# --- scband reference (transcript-rebuilt; emitter-appended) ---
"""Pipeline reference for scband-dgl-sage-10282151707715 (READ-ONLY COPY).

The authoritative reference and input builder live on the scoring server;
editing this copy changes nothing except your own understanding.
"""

import jax
jax.config.update("jax_enable_x64", True)
import jax.numpy as jnp
import numpy as np

N = 10000
E = 320000
D_IN = 128
HID = [128, 128]
D_OUT = 64


def setup_inputs(seed: int = 0) -> dict:
    key = jax.random.key(seed)
    ks = jax.random.split(key, 10)
    x = jax.random.normal(ks[0], (N, D_IN), dtype=jnp.float32)
    edge_index = jax.random.randint(ks[1], (2, E), 0, N, dtype=jnp.int64)
    dims = [D_IN] + HID + [D_OUT]
    params = {}
    for i in range(3):
        fi, fo = dims[i], dims[i + 1]
        params[f"W{i}"] = (jax.random.normal(ks[2 + 2 * i], (fo, fi), dtype=jnp.float32)
                           / np.sqrt(fi)).astype(jnp.float32)
        params[f"b{i}"] = jnp.zeros((fo,), dtype=jnp.float32)
    return {"in_feat": x, "edge_index": edge_index, **params}


def reference(in_feat, edge_index, W0, b0, W1, b1, W2, b2):
    # dgl.remove_self_loop then dgl.add_self_loop
    src = edge_index[0]
    dst = edge_index[1]
    mask = (src != dst).astype(jnp.float32)
    # in-degrees (include self-loop edges)
    deg = jax.ops.segment_sum(mask, dst, num_segments=N) + 1.0

    def sage_gcn_layer(h, W, b):
        # DGL SAGEConv aggregator_type='gcn':
        # h_neigh = (sum_{j in N(i)} h_j + h_i) / (in_deg(i) + 1); rst = fc_neigh(h_neigh) + bias
        msg = h[src] * mask[:, None]
        neigh = jax.ops.segment_sum(msg, dst, num_segments=N) + h
        h_agg = (neigh + h) / (deg[:, None] + 1.0)
        return h_agg @ W.T + b

    h = in_feat  # dropout(p=0.5) treated as identity (eval mode)
    h = jax.nn.relu(sage_gcn_layer(h, W0, b0))
    h = jax.nn.relu(sage_gcn_layer(h, W1, b1))
    h = sage_gcn_layer(h, W2, b2)
    return h

if __name__ == "__main__":
    import jax
    _d = setup_inputs()
    print(jax.jit(kernel)(*tuple(_d.values())))

</pallas_src>

<mosaic_0001>
#map = affine_map<(d0, d1) -> (0, 0)>
#map1 = affine_map<(d0, d1) -> (0, 0, 0)>
#map2 = affine_map<(d0, d1) -> (0)>
module attributes {stable_mosaic.version = 14 : i64} {
  func.func @agg(%arg0: i32, %arg1: i32, %arg2: memref<10000x128xf32, #tpu.memory_space<hbm>>, %arg3: memref<32x79x128xi32, #tpu.memory_space<hbm>>, %arg4: memref<32x79x128xi32, #tpu.memory_space<hbm>>, %arg5: memref<632x128xf32, #tpu.memory_space<hbm>>, %arg6: memref<632xf32, #tpu.memory_space<hbm>>, %arg7: memref<128xf32, #tpu.memory_space<hbm>>, %arg8: memref<20224x128xf32, #tpu.memory_space<hbm>>, %arg9: memref<20224xf32, #tpu.memory_space<hbm>>, %arg10: memref<79x128xi32, #tpu.memory_space<vmem>>, %arg11: memref<79x128xi32, #tpu.memory_space<vmem>>, %arg12: memref<128x128xf32, #tpu.memory_space<vmem>>, %arg13: memref<128xf32, #tpu.memory_space<vmem>>, %arg14: memref<632xf32, #tpu.memory_space<vmem>>, %arg15: memref<10112x128xf32, #tpu.memory_space<vmem_shared>>, %arg16: memref<10112xf32, #tpu.memory_space<vmem_shared>>, %arg17: memref<!tpu.dma_semaphore, #tpu.memory_space<semaphore_mem>>) attributes {dimension_semantics = [#tpu.dimension_semantics<core_parallel>, #tpu.dimension_semantics<subcore_parallel>], iteration_bounds = array<i64: 2, 16>, scalar_prefetch = 0 : i64, scratch_operands = 8 : i64, tpu.core_type = #tpu.core_type<sc_vector_subcore>, window_params = [{transform_indices = #map}, {transform_indices = #map1}, {transform_indices = #map1}, {transform_indices = #map}, {transform_indices = #map2}, {transform_indices = #map2}, {transform_indices = #map}, {transform_indices = #map2}]} {
    %mul3A = arith.constant 16 : i32
    %mul3A_0 = arith.muli %arg0, %mul3A : i32
    %add3A = arith.addi %mul3A_0, %arg1 : i32
    %mul3A_1 = arith.constant 632 : i32
    %mul3A_2 = arith.muli %arg1, %mul3A_1 : i32
    "tpu.region"() ({
      %run_scoped3A = tpu.sem_alloc : memref<!tpu.dma_semaphore, #tpu.memory_space<semaphore_mem>>
      %dma_start3A = arith.constant 0 : i32
      %dma_start3A_12 = tpu.memref_slice %arg15[%mul3A_2, %dma_start3A] : memref<10112x128xf32, #tpu.memory_space<vmem_shared>> -> memref<632x128xf32, #tpu.memory_space<vmem_shared>>
      tpu.enqueue_dma source(%arg5 : memref<632x128xf32, #tpu.memory_space<hbm>>) target(%dma_start3A_12 : memref<632x128xf32, #tpu.memory_space<vmem_shared>>) target_semaphore(%run_scoped3A : memref<!tpu.dma_semaphore, #tpu.memory_space<semaphore_mem>>)
      %dma_wait3A = arith.constant 0 : i32
      %dma_wait3A_13 = tpu.memref_slice %arg15[%mul3A_2, %dma_wait3A] : memref<10112x128xf32, #tpu.memory_space<vmem_shared>> -> memref<632x128xf32, #tpu.memory_space<vmem_shared>>
      tpu.wait_dma2 semaphore(%run_scoped3A : memref<!tpu.dma_semaphore, #tpu.memory_space<semaphore_mem>>) src(%arg5 : memref<632x128xf32, #tpu.memory_space<hbm>>) dst(%dma_wait3A_13 : memref<632x128xf32, #tpu.memory_space<vmem_shared>>)
      tpu.yield
    }) : () -> ()
    "tpu.region"() ({
      %run_scoped3A = tpu.sem_alloc : memref<!tpu.dma_semaphore, #tpu.memory_space<semaphore_mem>>
      tpu.enqueue_dma source(%arg6 : memref<632xf32, #tpu.memory_space<hbm>>) target(%arg14 : memref<632xf32, #tpu.memory_space<vmem>>) target_semaphore(%run_scoped3A : memref<!tpu.dma_semaphore, #tpu.memory_space<semaphore_mem>>)
      tpu.wait_dma2 semaphore(%run_scoped3A : memref<!tpu.dma_semaphore, #tpu.memory_space<semaphore_mem>>) src(%arg6 : memref<632xf32, #tpu.memory_space<hbm>>) dst(%arg14 : memref<632xf32, #tpu.memory_space<vmem>>)
      tpu.yield
    }) : () -> ()
    "tpu.region"() ({
      %run_scoped3A = tpu.sem_alloc : memref<!tpu.dma_semaphore, #tpu.memory_space<semaphore_mem>>
      %dma_start3A = tpu.memref_slice %arg16[%mul3A_2] : memref<10112xf32, #tpu.memory_space<vmem_shared>> -> memref<632xf32, #tpu.memory_space<vmem_shared>>
      %dma_start3A_12 = tpu.memref_slice %arg16[%mul3A_2] : memref<10112xf32, #tpu.memory_space<vmem_shared>> -> memref<632xf32, #tpu.memory_space<vmem_shared>>
      tpu.enqueue_dma source(%arg14 : memref<632xf32, #tpu.memory_space<vmem>>) target(%dma_start3A_12 : memref<632xf32, #tpu.memory_space<vmem_shared>>) target_semaphore(%run_scoped3A : memref<!tpu.dma_semaphore, #tpu.memory_space<semaphore_mem>>)
      %dma_wait3A = tpu.memref_slice %arg16[%mul3A_2] : memref<10112xf32, #tpu.memory_space<vmem_shared>> -> memref<632xf32, #tpu.memory_space<vmem_shared>>
      %dma_wait3A_13 = tpu.memref_slice %arg16[%mul3A_2] : memref<10112xf32, #tpu.memory_space<vmem_shared>> -> memref<632xf32, #tpu.memory_space<vmem_shared>>
      tpu.wait_dma2 semaphore(%run_scoped3A : memref<!tpu.dma_semaphore, #tpu.memory_space<semaphore_mem>>) src(%arg14 : memref<632xf32, #tpu.memory_space<vmem>>) dst(%dma_wait3A_13 : memref<632xf32, #tpu.memory_space<vmem_shared>>)
      tpu.yield
    }) : () -> ()
    "tpu.region"() ({
      %run_scoped3A = tpu.sem_alloc : memref<!tpu.dma_semaphore, #tpu.memory_space<semaphore_mem>>
      %dma_start3A = arith.constant 0 : i32
      %dma_start3A_12 = arith.constant 0 : i32
      %dma_start3A_13 = tpu.memref_slice %arg3[%add3A, %dma_start3A, %dma_start3A_12] : memref<32x79x128xi32, #tpu.memory_space<hbm>> -> memref<1x79x128xi32, #tpu.memory_space<hbm>>
      %dma_start3A_14 = tpu.memref_squeeze %dma_start3A_13 : memref<1x79x128xi32, #tpu.memory_space<hbm>> -> memref<79x128xi32, #tpu.memory_space<hbm>>
      %dma_start3A_15 = arith.constant 0 : i32
      %dma_start3A_16 = arith.constant 0 : i32
      %dma_start3A_17 = tpu.memref_slice %arg3[%add3A, %dma_start3A_15, %dma_start3A_16] : memref<32x79x128xi32, #tpu.memory_space<hbm>> -> memref<1x79x128xi32, #tpu.memory_space<hbm>>
      %dma_start3A_18 = tpu.memref_squeeze %dma_start3A_17 : memref<1x79x128xi32, #tpu.memory_space<hbm>> -> memref<79x128xi32, #tpu.memory_space<hbm>>
      tpu.enqueue_dma source(%dma_start3A_18 : memref<79x128xi32, #tpu.memory_space<hbm>>) target(%arg10 : memref<79x128xi32, #tpu.memory_space<vmem>>) target_semaphore(%run_scoped3A : memref<!tpu.dma_semaphore, #tpu.memory_space<semaphore_mem>>)
      %dma_wait3A = arith.constant 0 : i32
      %dma_wait3A_19 = arith.constant 0 : i32
      %dma_wait3A_20 = tpu.memref_slice %arg3[%add3A, %dma_wait3A, %dma_wait3A_19] : memref<32x79x128xi32, #tpu.memory_space<hbm>> -> memref<1x79x128xi32, #tpu.memory_space<hbm>>
      %dma_wait3A_21 = tpu.memref_squeeze %dma_wait3A_20 : memref<1x79x128xi32, #tpu.memory_space<hbm>> -> memref<79x128xi32, #tpu.memory_space<hbm>>
      %dma_wait3A_22 = arith.constant 0 : i32
      %dma_wait3A_23 = arith.constant 0 : i32
      %dma_wait3A_24 = tpu.memref_slice %arg3[%add3A, %dma_wait3A_22, %dma_wait3A_23] : memref<32x79x128xi32, #tpu.memory_space<hbm>> -> memref<1x79x128xi32, #tpu.memory_space<hbm>>
      %dma_wait3A_25 = tpu.memref_squeeze %dma_wait3A_24 : memref<1x79x128xi32, #tpu.memory_space<hbm>> -> memref<79x128xi32, #tpu.memory_space<hbm>>
      tpu.wait_dma2 semaphore(%run_scoped3A : memref<!tpu.dma_semaphore, #tpu.memory_space<semaphore_mem>>) src(%dma_wait3A_25 : memref<79x128xi32, #tpu.memory_space<hbm>>) dst(%arg10 : memref<79x128xi32, #tpu.memory_space<vmem>>)
      tpu.yield
    }) : () -> ()
    "tpu.region"() ({
      %run_scoped3A = tpu.sem_alloc : memref<!tpu.dma_semaphore, #tpu.memory_space<semaphore_mem>>
      %dma_start3A = arith.constant 0 : i32
      %dma_start3A_12 = arith.constant 0 : i32
      %dma_start3A_13 = tpu.memref_slice %arg4[%add3A, %dma_start3A, %dma_start3A_12] : memref<32x79x128xi32, #tpu.memory_space<hbm>> -> memref<1x79x128xi32, #tpu.memory_space<hbm>>
      %dma_start3A_14 = tpu.memref_squeeze %dma_start3A_13 : memref<1x79x128xi32, #tpu.memory_space<hbm>> -> memref<79x128xi32, #tpu.memory_space<hbm>>
      %dma_start3A_15 = arith.constant 0 : i32
      %dma_start3A_16 = arith.constant 0 : i32
      %dma_start3A_17 = tpu.memref_slice %arg4[%add3A, %dma_start3A_15, %dma_start3A_16] : memref<32x79x128xi32, #tpu.memory_space<hbm>> -> memref<1x79x128xi32, #tpu.memory_space<hbm>>
      %dma_start3A_18 = tpu.memref_squeeze %dma_start3A_17 : memref<1x79x128xi32, #tpu.memory_space<hbm>> -> memref<79x128xi32, #tpu.memory_space<hbm>>
      tpu.enqueue_dma source(%dma_start3A_18 : memref<79x128xi32, #tpu.memory_space<hbm>>) target(%arg11 : memref<79x128xi32, #tpu.memory_space<vmem>>) target_semaphore(%run_scoped3A : memref<!tpu.dma_semaphore, #tpu.memory_space<semaphore_mem>>)
      %dma_wait3A = arith.constant 0 : i32
      %dma_wait3A_19 = arith.constant 0 : i32
      %dma_wait3A_20 = tpu.memref_slice %arg4[%add3A, %dma_wait3A, %dma_wait3A_19] : memref<32x79x128xi32, #tpu.memory_space<hbm>> -> memref<1x79x128xi32, #tpu.memory_space<hbm>>
      %dma_wait3A_21 = tpu.memref_squeeze %dma_wait3A_20 : memref<1x79x128xi32, #tpu.memory_space<hbm>> -> memref<79x128xi32, #tpu.memory_space<hbm>>
      %dma_wait3A_22 = arith.constant 0 : i32
      %dma_wait3A_23 = arith.constant 0 : i32
      %dma_wait3A_24 = tpu.memref_slice %arg4[%add3A, %dma_wait3A_22, %dma_wait3A_23] : memref<32x79x128xi32, #tpu.memory_space<hbm>> -> memref<1x79x128xi32, #tpu.memory_space<hbm>>
      %dma_wait3A_25 = tpu.memref_squeeze %dma_wait3A_24 : memref<1x79x128xi32, #tpu.memory_space<hbm>> -> memref<79x128xi32, #tpu.memory_space<hbm>>
      tpu.wait_dma2 semaphore(%run_scoped3A : memref<!tpu.dma_semaphore, #tpu.memory_space<semaphore_mem>>) src(%dma_wait3A_25 : memref<79x128xi32, #tpu.memory_space<hbm>>) dst(%arg11 : memref<79x128xi32, #tpu.memory_space<vmem>>)
      tpu.yield
    }) : () -> ()
    "tpu.region"() ({
      %run_scoped3A = tpu.sem_alloc : memref<!tpu.dma_semaphore, #tpu.memory_space<semaphore_mem>>
      tpu.enqueue_dma source(%arg7 : memref<128xf32, #tpu.memory_space<hbm>>) target(%arg13 : memref<128xf32, #tpu.memory_space<vmem>>) target_semaphore(%run_scoped3A : memref<!tpu.dma_semaphore, #tpu.memory_space<semaphore_mem>>)
      tpu.wait_dma2 semaphore(%run_scoped3A : memref<!tpu.dma_semaphore, #tpu.memory_space<semaphore_mem>>) src(%arg7 : memref<128xf32, #tpu.memory_space<hbm>>) dst(%arg13 : memref<128xf32, #tpu.memory_space<vmem>>)
      tpu.yield
    }) : () -> ()
    %barrier3A = arith.constant 0 : index
    tpu.barrier barrier_id(%barrier3A)
    %scan3A = arith.constant 0 : i64
    %scan3A_3 = arith.constant 0 : i32
    %scan3A_4 = arith.constant 79 : i32
    %scan3A_5 = arith.addi %scan3A_3, %scan3A_4 : i32
    %scan3A_6 = arith.constant 1 : i32
    scf.for %scan3A_12 = %scan3A_3 to %scan3A_5 step %scan3A_6  : i32 {
      %dma_start3A = arith.constant 0 : i32
      %dma_start3A_13 = tpu.memref_slice %arg10[%scan3A_12, %dma_start3A] : memref<79x128xi32, #tpu.memory_space<vmem>> -> memref<1x128xi32, #tpu.memory_space<vmem>>
      %dma_start3A_14 = tpu.memref_squeeze %dma_start3A_13 : memref<1x128xi32, #tpu.memory_space<vmem>> -> memref<128xi32, #tpu.memory_space<vmem>>
      %dma_start3A_15 = arith.constant 0 : i32
      %dma_start3A_16 = arith.constant 0 : i32
      %dma_start3A_17 = tpu.memref_slice %arg2[%dma_start3A_15, %dma_start3A_16] : memref<10000x128xf32, #tpu.memory_space<hbm>> -> memref<10000x128xf32, #tpu.memory_space<hbm>>
      tpu.enqueue_indirect_dma source(%dma_start3A_17 : memref<10000x128xf32, #tpu.memory_space<hbm>>) target(%arg12 : memref<128x128xf32, #tpu.memory_space<vmem>>) offsets(%dma_start3A_14 : memref<128xi32, #tpu.memory_space<vmem>>) semaphore(%arg17 : memref<!tpu.dma_semaphore, #tpu.memory_space<semaphore_mem>>)
      %dma_wait3A = arith.constant 0 : i32
      %dma_wait3A_18 = tpu.memref_slice %arg10[%scan3A_12, %dma_wait3A] : memref<79x128xi32, #tpu.memory_space<vmem>> -> memref<1x128xi32, #tpu.memory_space<vmem>>
      %dma_wait3A_19 = tpu.memref_squeeze %dma_wait3A_18 : memref<1x128xi32, #tpu.memory_space<vmem>> -> memref<128xi32, #tpu.memory_space<vmem>>
      %dma_wait3A_20 = arith.constant 0 : i32
      %dma_wait3A_21 = arith.constant 0 : i32
      %dma_wait3A_22 = tpu.memref_slice %arg2[%dma_wait3A_20, %dma_wait3A_21] : memref<10000x128xf32, #tpu.memory_space<hbm>> -> memref<10000x128xf32, #tpu.memory_space<hbm>>
      tpu.wait_indirect_dma semaphore(%arg17 : memref<!tpu.dma_semaphore, #tpu.memory_space<semaphore_mem>>) src(%dma_wait3A_22 : memref<10000x128xf32, #tpu.memory_space<hbm>>) dst(%arg12 : memref<128x128xf32, #tpu.memory_space<vmem>>)
      "tpu.region"() ({
        %run_scoped3A = tpu.sem_alloc : memref<!tpu.dma_semaphore, #tpu.memory_space<semaphore_mem>>
        %dma_start3A_23 = arith.constant 0 : i32
        %dma_start3A_24 = tpu.memref_slice %arg11[%scan3A_12, %dma_start3A_23] : memref<79x128xi32, #tpu.memory_space<vmem>> -> memref<1x128xi32, #tpu.memory_space<vmem>>
        %dma_start3A_25 = tpu.memref_squeeze %dma_start3A_24 : memref<1x128xi32, #tpu.memory_space<vmem>> -> memref<128xi32, #tpu.memory_space<vmem>>
        %dma_start3A_26 = arith.constant 0 : i32
        %dma_start3A_27 = arith.constant 0 : i32
        %dma_start3A_28 = tpu.memref_slice %arg15[%dma_start3A_26, %dma_start3A_27] : memref<10112x128xf32, #tpu.memory_space<vmem_shared>> -> memref<10112x128xf32, #tpu.memory_space<vmem_shared>>
        tpu.enqueue_indirect_dma source(%arg12 : memref<128x128xf32, #tpu.memory_space<vmem>>) target(%dma_start3A_28 : memref<10112x128xf32, #tpu.memory_space<vmem_shared>>) offsets(%dma_start3A_25 : memref<128xi32, #tpu.memory_space<vmem>>) semaphore(%run_scoped3A : memref<!tpu.dma_semaphore, #tpu.memory_space<semaphore_mem>>) {add = true}
        %dma_wait3A_29 = arith.constant 0 : i32
        %dma_wait3A_30 = tpu.memref_slice %arg11[%scan3A_12, %dma_wait3A_29] : memref<79x128xi32, #tpu.memory_space<vmem>> -> memref<1x128xi32, #tpu.memory_space<vmem>>
        %dma_wait3A_31 = tpu.memref_squeeze %dma_wait3A_30 : memref<1x128xi32, #tpu.memory_space<vmem>> -> memref<128xi32, #tpu.memory_space<vmem>>
        %dma_wait3A_32 = arith.constant 0 : i32
        %dma_wait3A_33 = arith.constant 0 : i32
        %dma_wait3A_34 = tpu.memref_slice %arg15[%dma_wait3A_32, %dma_wait3A_33] : memref<10112x128xf32, #tpu.memory_space<vmem_shared>> -> memref<10112x128xf32, #tpu.memory_space<vmem_shared>>
        tpu.wait_indirect_dma semaphore(%run_scoped3A : memref<!tpu.dma_semaphore, #tpu.memory_space<semaphore_mem>>) src(%arg12 : memref<128x128xf32, #tpu.memory_space<vmem>>) dst(%dma_wait3A_34 : memref<10112x128xf32, #tpu.memory_space<vmem_shared>>)
        tpu.yield
      }) : () -> ()
      "tpu.region"() ({
        %run_scoped3A = tpu.sem_alloc : memref<!tpu.dma_semaphore, #tpu.memory_space<semaphore_mem>>
        %dma_start3A_23 = arith.constant 0 : i32
        %dma_start3A_24 = tpu.memref_slice %arg11[%scan3A_12, %dma_start3A_23] : memref<79x128xi32, #tpu.memory_space<vmem>> -> memref<1x128xi32, #tpu.memory_space<vmem>>
        %dma_start3A_25 = tpu.memref_squeeze %dma_start3A_24 : memref<1x128xi32, #tpu.memory_space<vmem>> -> memref<128xi32, #tpu.memory_space<vmem>>
        %dma_start3A_26 = arith.constant 0 : i32
        %dma_start3A_27 = tpu.memref_slice %arg16[%dma_start3A_26] : memref<10112xf32, #tpu.memory_space<vmem_shared>> -> memref<10112xf32, #tpu.memory_space<vmem_shared>>
        tpu.enqueue_indirect_dma source(%arg13 : memref<128xf32, #tpu.memory_space<vmem>>) target(%dma_start3A_27 : memref<10112xf32, #tpu.memory_space<vmem_shared>>) offsets(%dma_start3A_25 : memref<128xi32, #tpu.memory_space<vmem>>) semaphore(%run_scoped3A : memref<!tpu.dma_semaphore, #tpu.memory_space<semaphore_mem>>) {add = true}
        %dma_wait3A_28 = arith.constant 0 : i32
        %dma_wait3A_29 = tpu.memref_slice %arg11[%scan3A_12, %dma_wait3A_28] : memref<79x128xi32, #tpu.memory_space<vmem>> -> memref<1x128xi32, #tpu.memory_space<vmem>>
        %dma_wait3A_30 = tpu.memref_squeeze %dma_wait3A_29 : memref<1x128xi32, #tpu.memory_space<vmem>> -> memref<128xi32, #tpu.memory_space<vmem>>
        %dma_wait3A_31 = arith.constant 0 : i32
        %dma_wait3A_32 = tpu.memref_slice %arg16[%dma_wait3A_31] : memref<10112xf32, #tpu.memory_space<vmem_shared>> -> memref<10112xf32, #tpu.memory_space<vmem_shared>>
        tpu.wait_indirect_dma semaphore(%run_scoped3A : memref<!tpu.dma_semaphore, #tpu.memory_space<semaphore_mem>>) src(%arg13 : memref<128xf32, #tpu.memory_space<vmem>>) dst(%dma_wait3A_32 : memref<10112xf32, #tpu.memory_space<vmem_shared>>)
        tpu.yield
      }) : () -> ()
    }
    %scan3A_7 = arith.constant 79 : i32
    %barrier3A_8 = arith.constant 0 : index
    tpu.barrier barrier_id(%barrier3A_8)
    %mul3A_9 = arith.constant 10112 : i32
    %mul3A_10 = arith.muli %arg0, %mul3A_9 : i32
    %add3A_11 = arith.addi %mul3A_10, %mul3A_2 : i32
    "tpu.region"() ({
      %run_scoped3A = tpu.sem_alloc : memref<!tpu.dma_semaphore, #tpu.memory_space<semaphore_mem>>
      %dma_start3A = arith.constant 0 : i32
      %dma_start3A_12 = tpu.memref_slice %arg8[%add3A_11, %dma_start3A] : memref<20224x128xf32, #tpu.memory_space<hbm>> -> memref<632x128xf32, #tpu.memory_space<hbm>>
      %dma_start3A_13 = arith.constant 0 : i32
      %dma_start3A_14 = tpu.memref_slice %arg15[%mul3A_2, %dma_start3A_13] : memref<10112x128xf32, #tpu.memory_space<vmem_shared>> -> memref<632x128xf32, #tpu.memory_space<vmem_shared>>
      tpu.enqueue_dma source(%dma_start3A_14 : memref<632x128xf32, #tpu.memory_space<vmem_shared>>) target(%dma_start3A_12 : memref<632x128xf32, #tpu.memory_space<hbm>>) target_semaphore(%run_scoped3A : memref<!tpu.dma_semaphore, #tpu.memory_space<semaphore_mem>>)
      %dma_wait3A = arith.constant 0 : i32
      %dma_wait3A_15 = tpu.memref_slice %arg8[%add3A_11, %dma_wait3A] : memref<20224x128xf32, #tpu.memory_space<hbm>> -> memref<632x128xf32, #tpu.memory_space<hbm>>
      %dma_wait3A_16 = arith.constant 0 : i32
      %dma_wait3A_17 = tpu.memref_slice %arg15[%mul3A_2, %dma_wait3A_16] : memref<10112x128xf32, #tpu.memory_space<vmem_shared>> -> memref<632x128xf32, #tpu.memory_space<vmem_shared>>
      tpu.wait_dma2 semaphore(%run_scoped3A : memref<!tpu.dma_semaphore, #tpu.memory_space<semaphore_mem>>) src(%dma_wait3A_17 : memref<632x128xf32, #tpu.memory_space<vmem_shared>>) dst(%dma_wait3A_15 : memref<632x128xf32, #tpu.memory_space<hbm>>)
      tpu.yield
    }) : () -> ()
    "tpu.region"() ({
      %run_scoped3A = tpu.sem_alloc : memref<!tpu.dma_semaphore, #tpu.memory_space<semaphore_mem>>
      %dma_start3A = tpu.memref_slice %arg16[%mul3A_2] : memref<10112xf32, #tpu.memory_space<vmem_shared>> -> memref<632xf32, #tpu.memory_space<vmem_shared>>
      %dma_start3A_12 = tpu.memref_slice %arg16[%mul3A_2] : memref<10112xf32, #tpu.memory_space<vmem_shared>> -> memref<632xf32, #tpu.memory_space<vmem_shared>>
      tpu.enqueue_dma source(%dma_start3A_12 : memref<632xf32, #tpu.memory_space<vmem_shared>>) target(%arg14 : memref<632xf32, #tpu.memory_space<vmem>>) target_semaphore(%run_scoped3A : memref<!tpu.dma_semaphore, #tpu.memory_space<semaphore_mem>>)
      %dma_wait3A = tpu.memref_slice %arg16[%mul3A_2] : memref<10112xf32, #tpu.memory_space<vmem_shared>> -> memref<632xf32, #tpu.memory_space<vmem_shared>>
      %dma_wait3A_13 = tpu.memref_slice %arg16[%mul3A_2] : memref<10112xf32, #tpu.memory_space<vmem_shared>> -> memref<632xf32, #tpu.memory_space<vmem_shared>>
      tpu.wait_dma2 semaphore(%run_scoped3A : memref<!tpu.dma_semaphore, #tpu.memory_space<semaphore_mem>>) src(%dma_wait3A_13 : memref<632xf32, #tpu.memory_space<vmem_shared>>) dst(%arg14 : memref<632xf32, #tpu.memory_space<vmem>>)
      tpu.yield
    }) : () -> ()
    "tpu.region"() ({
      %run_scoped3A = tpu.sem_alloc : memref<!tpu.dma_semaphore, #tpu.memory_space<semaphore_mem>>
      %dma_start3A = tpu.memref_slice %arg9[%add3A_11] : memref<20224xf32, #tpu.memory_space<hbm>> -> memref<632xf32, #tpu.memory_space<hbm>>
      %dma_start3A_12 = tpu.memref_slice %arg9[%add3A_11] : memref<20224xf32, #tpu.memory_space<hbm>> -> memref<632xf32, #tpu.memory_space<hbm>>
      tpu.enqueue_dma source(%arg14 : memref<632xf32, #tpu.memory_space<vmem>>) target(%dma_start3A_12 : memref<632xf32, #tpu.memory_space<hbm>>) target_semaphore(%run_scoped3A : memref<!tpu.dma_semaphore, #tpu.memory_space<semaphore_mem>>)
      %dma_wait3A = tpu.memref_slice %arg9[%add3A_11] : memref<20224xf32, #tpu.memory_space<hbm>> -> memref<632xf32, #tpu.memory_space<hbm>>
      %dma_wait3A_13 = tpu.memref_slice %arg9[%add3A_11] : memref<20224xf32, #tpu.memory_space<hbm>> -> memref<632xf32, #tpu.memory_space<hbm>>
      tpu.wait_dma2 semaphore(%run_scoped3A : memref<!tpu.dma_semaphore, #tpu.memory_space<semaphore_mem>>) src(%arg14 : memref<632xf32, #tpu.memory_space<vmem>>) dst(%dma_wait3A_13 : memref<632xf32, #tpu.memory_space<hbm>>)
      tpu.yield
    }) : () -> ()
    return
  }
}

#map = affine_map<(d0, d1) -> (0, 0)>
#map1 = affine_map<(d0, d1) -> (0, 0, 0)>
module attributes {stable_mosaic.version = 14 : i64} {
  func.func @agg(%arg0: i32, %arg1: i32, %arg2: memref<10000x128xf32, #tpu.memory_space<hbm>>, %arg3: memref<32x79x128xi32, #tpu.memory_space<hbm>>, %arg4: memref<32x79x128xi32, #tpu.memory_space<hbm>>, %arg5: memref<632x128xf32, #tpu.memory_space<hbm>>, %arg6: memref<20224x128xf32, #tpu.memory_space<hbm>>, %arg7: memref<79x128xi32, #tpu.memory_space<vmem>>, %arg8: memref<79x128xi32, #tpu.memory_space<vmem>>, %arg9: memref<128x128xf32, #tpu.memory_space<vmem>>, %arg10: memref<10112x128xf32, #tpu.memory_space<vmem_shared>>, %arg11: memref<!tpu.dma_semaphore, #tpu.memory_space<semaphore_mem>>) attributes {dimension_semantics = [#tpu.dimension_semantics<core_parallel>, #tpu.dimension_semantics<subcore_parallel>], iteration_bounds = array<i64: 2, 16>, scalar_prefetch = 0 : i64, scratch_operands = 5 : i64, tpu.core_type = #tpu.core_type<sc_vector_subcore>, window_params = [{transform_indices = #map}, {transform_indices = #map1}, {transform_indices = #map1}, {transform_indices = #map}, {transform_indices = #map}]} {
    %mul3A = arith.constant 16 : i32
    %mul3A_0 = arith.muli %arg0, %mul3A : i32
    %add3A = arith.addi %mul3A_0, %arg1 : i32
    %mul3A_1 = arith.constant 632 : i32
    %mul3A_2 = arith.muli %arg1, %mul3A_1 : i32
    "tpu.region"() ({
      %run_scoped3A = tpu.sem_alloc : memref<!tpu.dma_semaphore, #tpu.memory_space<semaphore_mem>>
      %dma_start3A = arith.constant 0 : i32
      %dma_start3A_12 = tpu.memref_slice %arg10[%mul3A_2, %dma_start3A] : memref<10112x128xf32, #tpu.memory_space<vmem_shared>> -> memref<632x128xf32, #tpu.memory_space<vmem_shared>>
      tpu.enqueue_dma source(%arg5 : memref<632x128xf32, #tpu.memory_space<hbm>>) target(%dma_start3A_12 : memref<632x128xf32, #tpu.memory_space<vmem_shared>>) target_semaphore(%run_scoped3A : memref<!tpu.dma_semaphore, #tpu.memory_space<semaphore_mem>>)
      %dma_wait3A = arith.constant 0 : i32
      %dma_wait3A_13 = tpu.memref_slice %arg10[%mul3A_2, %dma_wait3A] : memref<10112x128xf32, #tpu.memory_space<vmem_shared>> -> memref<632x128xf32, #tpu.memory_space<vmem_shared>>
      tpu.wait_dma2 semaphore(%run_scoped3A : memref<!tpu.dma_semaphore, #tpu.memory_space<semaphore_mem>>) src(%arg5 : memref<632x128xf32, #tpu.memory_space<hbm>>) dst(%dma_wait3A_13 : memref<632x128xf32, #tpu.memory_space<vmem_shared>>)
      tpu.yield
    }) : () -> ()
    "tpu.region"() ({
      %run_scoped3A = tpu.sem_alloc : memref<!tpu.dma_semaphore, #tpu.memory_space<semaphore_mem>>
      %dma_start3A = arith.constant 0 : i32
      %dma_start3A_12 = arith.constant 0 : i32
      %dma_start3A_13 = tpu.memref_slice %arg3[%add3A, %dma_start3A, %dma_start3A_12] : memref<32x79x128xi32, #tpu.memory_space<hbm>> -> memref<1x79x128xi32, #tpu.memory_space<hbm>>
      %dma_start3A_14 = tpu.memref_squeeze %dma_start3A_13 : memref<1x79x128xi32, #tpu.memory_space<hbm>> -> memref<79x128xi32, #tpu.memory_space<hbm>>
      %dma_start3A_15 = arith.constant 0 : i32
      %dma_start3A_16 = arith.constant 0 : i32
      %dma_start3A_17 = tpu.memref_slice %arg3[%add3A, %dma_start3A_15, %dma_start3A_16] : memref<32x79x128xi32, #tpu.memory_space<hbm>> -> memref<1x79x128xi32, #tpu.memory_space<hbm>>
      %dma_start3A_18 = tpu.memref_squeeze %dma_start3A_17 : memref<1x79x128xi32, #tpu.memory_space<hbm>> -> memref<79x128xi32, #tpu.memory_space<hbm>>
      tpu.enqueue_dma source(%dma_start3A_18 : memref<79x128xi32, #tpu.memory_space<hbm>>) target(%arg7 : memref<79x128xi32, #tpu.memory_space<vmem>>) target_semaphore(%run_scoped3A : memref<!tpu.dma_semaphore, #tpu.memory_space<semaphore_mem>>)
      %dma_wait3A = arith.constant 0 : i32
      %dma_wait3A_19 = arith.constant 0 : i32
      %dma_wait3A_20 = tpu.memref_slice %arg3[%add3A, %dma_wait3A, %dma_wait3A_19] : memref<32x79x128xi32, #tpu.memory_space<hbm>> -> memref<1x79x128xi32, #tpu.memory_space<hbm>>
      %dma_wait3A_21 = tpu.memref_squeeze %dma_wait3A_20 : memref<1x79x128xi32, #tpu.memory_space<hbm>> -> memref<79x128xi32, #tpu.memory_space<hbm>>
      %dma_wait3A_22 = arith.constant 0 : i32
      %dma_wait3A_23 = arith.constant 0 : i32
      %dma_wait3A_24 = tpu.memref_slice %arg3[%add3A, %dma_wait3A_22, %dma_wait3A_23] : memref<32x79x128xi32, #tpu.memory_space<hbm>> -> memref<1x79x128xi32, #tpu.memory_space<hbm>>
      %dma_wait3A_25 = tpu.memref_squeeze %dma_wait3A_24 : memref<1x79x128xi32, #tpu.memory_space<hbm>> -> memref<79x128xi32, #tpu.memory_space<hbm>>
      tpu.wait_dma2 semaphore(%run_scoped3A : memref<!tpu.dma_semaphore, #tpu.memory_space<semaphore_mem>>) src(%dma_wait3A_25 : memref<79x128xi32, #tpu.memory_space<hbm>>) dst(%arg7 : memref<79x128xi32, #tpu.memory_space<vmem>>)
      tpu.yield
    }) : () -> ()
    "tpu.region"() ({
      %run_scoped3A = tpu.sem_alloc : memref<!tpu.dma_semaphore, #tpu.memory_space<semaphore_mem>>
      %dma_start3A = arith.constant 0 : i32
      %dma_start3A_12 = arith.constant 0 : i32
      %dma_start3A_13 = tpu.memref_slice %arg4[%add3A, %dma_start3A, %dma_start3A_12] : memref<32x79x128xi32, #tpu.memory_space<hbm>> -> memref<1x79x128xi32, #tpu.memory_space<hbm>>
      %dma_start3A_14 = tpu.memref_squeeze %dma_start3A_13 : memref<1x79x128xi32, #tpu.memory_space<hbm>> -> memref<79x128xi32, #tpu.memory_space<hbm>>
      %dma_start3A_15 = arith.constant 0 : i32
      %dma_start3A_16 = arith.constant 0 : i32
      %dma_start3A_17 = tpu.memref_slice %arg4[%add3A, %dma_start3A_15, %dma_start3A_16] : memref<32x79x128xi32, #tpu.memory_space<hbm>> -> memref<1x79x128xi32, #tpu.memory_space<hbm>>
      %dma_start3A_18 = tpu.memref_squeeze %dma_start3A_17 : memref<1x79x128xi32, #tpu.memory_space<hbm>> -> memref<79x128xi32, #tpu.memory_space<hbm>>
      tpu.enqueue_dma source(%dma_start3A_18 : memref<79x128xi32, #tpu.memory_space<hbm>>) target(%arg8 : memref<79x128xi32, #tpu.memory_space<vmem>>) target_semaphore(%run_scoped3A : memref<!tpu.dma_semaphore, #tpu.memory_space<semaphore_mem>>)
      %dma_wait3A = arith.constant 0 : i32
      %dma_wait3A_19 = arith.constant 0 : i32
      %dma_wait3A_20 = tpu.memref_slice %arg4[%add3A, %dma_wait3A, %dma_wait3A_19] : memref<32x79x128xi32, #tpu.memory_space<hbm>> -> memref<1x79x128xi32, #tpu.memory_space<hbm>>
      %dma_wait3A_21 = tpu.memref_squeeze %dma_wait3A_20 : memref<1x79x128xi32, #tpu.memory_space<hbm>> -> memref<79x128xi32, #tpu.memory_space<hbm>>
      %dma_wait3A_22 = arith.constant 0 : i32
      %dma_wait3A_23 = arith.constant 0 : i32
      %dma_wait3A_24 = tpu.memref_slice %arg4[%add3A, %dma_wait3A_22, %dma_wait3A_23] : memref<32x79x128xi32, #tpu.memory_space<hbm>> -> memref<1x79x128xi32, #tpu.memory_space<hbm>>
      %dma_wait3A_25 = tpu.memref_squeeze %dma_wait3A_24 : memref<1x79x128xi32, #tpu.memory_space<hbm>> -> memref<79x128xi32, #tpu.memory_space<hbm>>
      tpu.wait_dma2 semaphore(%run_scoped3A : memref<!tpu.dma_semaphore, #tpu.memory_space<semaphore_mem>>) src(%dma_wait3A_25 : memref<79x128xi32, #tpu.memory_space<hbm>>) dst(%arg8 : memref<79x128xi32, #tpu.memory_space<vmem>>)
      tpu.yield
    }) : () -> ()
    %barrier3A = arith.constant 0 : index
    tpu.barrier barrier_id(%barrier3A)
    %scan3A = arith.constant 0 : i64
    %scan3A_3 = arith.constant 0 : i32
    %scan3A_4 = arith.constant 79 : i32
    %scan3A_5 = arith.addi %scan3A_3, %scan3A_4 : i32
    %scan3A_6 = arith.constant 1 : i32
    scf.for %scan3A_12 = %scan3A_3 to %scan3A_5 step %scan3A_6  : i32 {
      %dma_start3A = arith.constant 0 : i32
      %dma_start3A_13 = tpu.memref_slice %arg7[%scan3A_12, %dma_start3A] : memref<79x128xi32, #tpu.memory_space<vmem>> -> memref<1x128xi32, #tpu.memory_space<vmem>>
      %dma_start3A_14 = tpu.memref_squeeze %dma_start3A_13 : memref<1x128xi32, #tpu.memory_space<vmem>> -> memref<128xi32, #tpu.memory_space<vmem>>
      %dma_start3A_15 = arith.constant 0 : i32
      %dma_start3A_16 = arith.constant 0 : i32
      %dma_start3A_17 = tpu.memref_slice %arg2[%dma_start3A_15, %dma_start3A_16] : memref<10000x128xf32, #tpu.memory_space<hbm>> -> memref<10000x128xf32, #tpu.memory_space<hbm>>
      tpu.enqueue_indirect_dma source(%dma_start3A_17 : memref<10000x128xf32, #tpu.memory_space<hbm>>) target(%arg9 : memref<128x128xf32, #tpu.memory_space<vmem>>) offsets(%dma_start3A_14 : memref<128xi32, #tpu.memory_space<vmem>>) semaphore(%arg11 : memref<!tpu.dma_semaphore, #tpu.memory_space<semaphore_mem>>)
      %dma_wait3A = arith.constant 0 : i32
      %dma_wait3A_18 = tpu.memref_slice %arg7[%scan3A_12, %dma_wait3A] : memref<79x128xi32, #tpu.memory_space<vmem>> -> memref<1x128xi32, #tpu.memory_space<vmem>>
      %dma_wait3A_19 = tpu.memref_squeeze %dma_wait3A_18 : memref<1x128xi32, #tpu.memory_space<vmem>> -> memref<128xi32, #tpu.memory_space<vmem>>
      %dma_wait3A_20 = arith.constant 0 : i32
      %dma_wait3A_21 = arith.constant 0 : i32
      %dma_wait3A_22 = tpu.memref_slice %arg2[%dma_wait3A_20, %dma_wait3A_21] : memref<10000x128xf32, #tpu.memory_space<hbm>> -> memref<10000x128xf32, #tpu.memory_space<hbm>>
      tpu.wait_indirect_dma semaphore(%arg11 : memref<!tpu.dma_semaphore, #tpu.memory_space<semaphore_mem>>) src(%dma_wait3A_22 : memref<10000x128xf32, #tpu.memory_space<hbm>>) dst(%arg9 : memref<128x128xf32, #tpu.memory_space<vmem>>)
      "tpu.region"() ({
        %run_scoped3A = tpu.sem_alloc : memref<!tpu.dma_semaphore, #tpu.memory_space<semaphore_mem>>
        %dma_start3A_23 = arith.constant 0 : i32
        %dma_start3A_24 = tpu.memref_slice %arg8[%scan3A_12, %dma_start3A_23] : memref<79x128xi32, #tpu.memory_space<vmem>> -> memref<1x128xi32, #tpu.memory_space<vmem>>
        %dma_start3A_25 = tpu.memref_squeeze %dma_start3A_24 : memref<1x128xi32, #tpu.memory_space<vmem>> -> memref<128xi32, #tpu.memory_space<vmem>>
        %dma_start3A_26 = arith.constant 0 : i32
        %dma_start3A_27 = arith.constant 0 : i32
        %dma_start3A_28 = tpu.memref_slice %arg10[%dma_start3A_26, %dma_start3A_27] : memref<10112x128xf32, #tpu.memory_space<vmem_shared>> -> memref<10112x128xf32, #tpu.memory_space<vmem_shared>>
        tpu.enqueue_indirect_dma source(%arg9 : memref<128x128xf32, #tpu.memory_space<vmem>>) target(%dma_start3A_28 : memref<10112x128xf32, #tpu.memory_space<vmem_shared>>) offsets(%dma_start3A_25 : memref<128xi32, #tpu.memory_space<vmem>>) semaphore(%run_scoped3A : memref<!tpu.dma_semaphore, #tpu.memory_space<semaphore_mem>>) {add = true}
        %dma_wait3A_29 = arith.constant 0 : i32
        %dma_wait3A_30 = tpu.memref_slice %arg8[%scan3A_12, %dma_wait3A_29] : memref<79x128xi32, #tpu.memory_space<vmem>> -> memref<1x128xi32, #tpu.memory_space<vmem>>
        %dma_wait3A_31 = tpu.memref_squeeze %dma_wait3A_30 : memref<1x128xi32, #tpu.memory_space<vmem>> -> memref<128xi32, #tpu.memory_space<vmem>>
        %dma_wait3A_32 = arith.constant 0 : i32
        %dma_wait3A_33 = arith.constant 0 : i32
        %dma_wait3A_34 = tpu.memref_slice %arg10[%dma_wait3A_32, %dma_wait3A_33] : memref<10112x128xf32, #tpu.memory_space<vmem_shared>> -> memref<10112x128xf32, #tpu.memory_space<vmem_shared>>
        tpu.wait_indirect_dma semaphore(%run_scoped3A : memref<!tpu.dma_semaphore, #tpu.memory_space<semaphore_mem>>) src(%arg9 : memref<128x128xf32, #tpu.memory_space<vmem>>) dst(%dma_wait3A_34 : memref<10112x128xf32, #tpu.memory_space<vmem_shared>>)
        tpu.yield
      }) : () -> ()
    }
    %scan3A_7 = arith.constant 79 : i32
    %barrier3A_8 = arith.constant 0 : index
    tpu.barrier barrier_id(%barrier3A_8)
    %mul3A_9 = arith.constant 10112 : i32
    %mul3A_10 = arith.muli %arg0, %mul3A_9 : i32
    %add3A_11 = arith.addi %mul3A_10, %mul3A_2 : i32
    "tpu.region"() ({
      %run_scoped3A = tpu.sem_alloc : memref<!tpu.dma_semaphore, #tpu.memory_space<semaphore_mem>>
      %dma_start3A = arith.constant 0 : i32
      %dma_start3A_12 = tpu.memref_slice %arg6[%add3A_11, %dma_start3A] : memref<20224x128xf32, #tpu.memory_space<hbm>> -> memref<632x128xf32, #tpu.memory_space<hbm>>
      %dma_start3A_13 = arith.constant 0 : i32
      %dma_start3A_14 = tpu.memref_slice %arg10[%mul3A_2, %dma_start3A_13] : memref<10112x128xf32, #tpu.memory_space<vmem_shared>> -> memref<632x128xf32, #tpu.memory_space<vmem_shared>>
      tpu.enqueue_dma source(%dma_start3A_14 : memref<632x128xf32, #tpu.memory_space<vmem_shared>>) target(%dma_start3A_12 : memref<632x128xf32, #tpu.memory_space<hbm>>) target_semaphore(%run_scoped3A : memref<!tpu.dma_semaphore, #tpu.memory_space<semaphore_mem>>)
      %dma_wait3A = arith.constant 0 : i32
      %dma_wait3A_15 = tpu.memref_slice %arg6[%add3A_11, %dma_wait3A] : memref<20224x128xf32, #tpu.memory_space<hbm>> -> memref<632x128xf32, #tpu.memory_space<hbm>>
      %dma_wait3A_16 = arith.constant 0 : i32
      %dma_wait3A_17 = tpu.memref_slice %arg10[%mul3A_2, %dma_wait3A_16] : memref<10112x128xf32, #tpu.memory_space<vmem_shared>> -> memref<632x128xf32, #tpu.memory_space<vmem_shared>>
      tpu.wait_dma2 semaphore(%run_scoped3A : memref<!tpu.dma_semaphore, #tpu.memory_space<semaphore_mem>>) src(%dma_wait3A_17 : memref<632x128xf32, #tpu.memory_space<vmem_shared>>) dst(%dma_wait3A_15 : memref<632x128xf32, #tpu.memory_space<hbm>>)
      tpu.yield
    }) : () -> ()
    return
  }
}

#map = affine_map<(d0, d1) -> (0, 0)>
#map1 = affine_map<(d0, d1) -> (0, 0, 0)>
module attributes {stable_mosaic.version = 14 : i64} {
  func.func @agg(%arg0: i32, %arg1: i32, %arg2: memref<10000x128xf32, #tpu.memory_space<hbm>>, %arg3: memref<32x79x128xi32, #tpu.memory_space<hbm>>, %arg4: memref<32x79x128xi32, #tpu.memory_space<hbm>>, %arg5: memref<632x128xf32, #tpu.memory_space<hbm>>, %arg6: memref<20224x128xf32, #tpu.memory_space<hbm>>, %arg7: memref<79x128xi32, #tpu.memory_space<vmem>>, %arg8: memref<79x128xi32, #tpu.memory_space<vmem>>, %arg9: memref<128x128xf32, #tpu.memory_space<vmem>>, %arg10: memref<10112x128xf32, #tpu.memory_space<vmem_shared>>, %arg11: memref<!tpu.dma_semaphore, #tpu.memory_space<semaphore_mem>>) attributes {dimension_semantics = [#tpu.dimension_semantics<core_parallel>, #tpu.dimension_semantics<subcore_parallel>], iteration_bounds = array<i64: 2, 16>, scalar_prefetch = 0 : i64, scratch_operands = 5 : i64, tpu.core_type = #tpu.core_type<sc_vector_subcore>, window_params = [{transform_indices = #map}, {transform_indices = #map1}, {transform_indices = #map1}, {transform_indices = #map}, {transform_indices = #map}]} {
    %mul3A = arith.constant 16 : i32
    %mul3A_0 = arith.muli %arg0, %mul3A : i32
    %add3A = arith.addi %mul3A_0, %arg1 : i32
    %mul3A_1 = arith.constant 632 : i32
    %mul3A_2 = arith.muli %arg1, %mul3A_1 : i32
    "tpu.region"() ({
      %run_scoped3A = tpu.sem_alloc : memref<!tpu.dma_semaphore, #tpu.memory_space<semaphore_mem>>
      %dma_start3A = arith.constant 0 : i32
      %dma_start3A_12 = tpu.memref_slice %arg10[%mul3A_2, %dma_start3A] : memref<10112x128xf32, #tpu.memory_space<vmem_shared>> -> memref<632x128xf32, #tpu.memory_space<vmem_shared>>
      tpu.enqueue_dma source(%arg5 : memref<632x128xf32, #tpu.memory_space<hbm>>) target(%dma_start3A_12 : memref<632x128xf32, #tpu.memory_space<vmem_shared>>) target_semaphore(%run_scoped3A : memref<!tpu.dma_semaphore, #tpu.memory_space<semaphore_mem>>)
      %dma_wait3A = arith.constant 0 : i32
      %dma_wait3A_13 = tpu.memref_slice %arg10[%mul3A_2, %dma_wait3A] : memref<10112x128xf32, #tpu.memory_space<vmem_shared>> -> memref<632x128xf32, #tpu.memory_space<vmem_shared>>
      tpu.wait_dma2 semaphore(%run_scoped3A : memref<!tpu.dma_semaphore, #tpu.memory_space<semaphore_mem>>) src(%arg5 : memref<632x128xf32, #tpu.memory_space<hbm>>) dst(%dma_wait3A_13 : memref<632x128xf32, #tpu.memory_space<vmem_shared>>)
      tpu.yield
    }) : () -> ()
    "tpu.region"() ({
      %run_scoped3A = tpu.sem_alloc : memref<!tpu.dma_semaphore, #tpu.memory_space<semaphore_mem>>
      %dma_start3A = arith.constant 0 : i32
      %dma_start3A_12 = arith.constant 0 : i32
      %dma_start3A_13 = tpu.memref_slice %arg3[%add3A, %dma_start3A, %dma_start3A_12] : memref<32x79x128xi32, #tpu.memory_space<hbm>> -> memref<1x79x128xi32, #tpu.memory_space<hbm>>
      %dma_start3A_14 = tpu.memref_squeeze %dma_start3A_13 : memref<1x79x128xi32, #tpu.memory_space<hbm>> -> memref<79x128xi32, #tpu.memory_space<hbm>>
      %dma_start3A_15 = arith.constant 0 : i32
      %dma_start3A_16 = arith.constant 0 : i32
      %dma_start3A_17 = tpu.memref_slice %arg3[%add3A, %dma_start3A_15, %dma_start3A_16] : memref<32x79x128xi32, #tpu.memory_space<hbm>> -> memref<1x79x128xi32, #tpu.memory_space<hbm>>
      %dma_start3A_18 = tpu.memref_squeeze %dma_start3A_17 : memref<1x79x128xi32, #tpu.memory_space<hbm>> -> memref<79x128xi32, #tpu.memory_space<hbm>>
      tpu.enqueue_dma source(%dma_start3A_18 : memref<79x128xi32, #tpu.memory_space<hbm>>) target(%arg7 : memref<79x128xi32, #tpu.memory_space<vmem>>) target_semaphore(%run_scoped3A : memref<!tpu.dma_semaphore, #tpu.memory_space<semaphore_mem>>)
      %dma_wait3A = arith.constant 0 : i32
      %dma_wait3A_19 = arith.constant 0 : i32
      %dma_wait3A_20 = tpu.memref_slice %arg3[%add3A, %dma_wait3A, %dma_wait3A_19] : memref<32x79x128xi32, #tpu.memory_space<hbm>> -> memref<1x79x128xi32, #tpu.memory_space<hbm>>
      %dma_wait3A_21 = tpu.memref_squeeze %dma_wait3A_20 : memref<1x79x128xi32, #tpu.memory_space<hbm>> -> memref<79x128xi32, #tpu.memory_space<hbm>>
      %dma_wait3A_22 = arith.constant 0 : i32
      %dma_wait3A_23 = arith.constant 0 : i32
      %dma_wait3A_24 = tpu.memref_slice %arg3[%add3A, %dma_wait3A_22, %dma_wait3A_23] : memref<32x79x128xi32, #tpu.memory_space<hbm>> -> memref<1x79x128xi32, #tpu.memory_space<hbm>>
      %dma_wait3A_25 = tpu.memref_squeeze %dma_wait3A_24 : memref<1x79x128xi32, #tpu.memory_space<hbm>> -> memref<79x128xi32, #tpu.memory_space<hbm>>
      tpu.wait_dma2 semaphore(%run_scoped3A : memref<!tpu.dma_semaphore, #tpu.memory_space<semaphore_mem>>) src(%dma_wait3A_25 : memref<79x128xi32, #tpu.memory_space<hbm>>) dst(%arg7 : memref<79x128xi32, #tpu.memory_space<vmem>>)
      tpu.yield
    }) : () -> ()
    "tpu.region"() ({
      %run_scoped3A = tpu.sem_alloc : memref<!tpu.dma_semaphore, #tpu.memory_space<semaphore_mem>>
      %dma_start3A = arith.constant 0 : i32
      %dma_start3A_12 = arith.constant 0 : i32
      %dma_start3A_13 = tpu.memref_slice %arg4[%add3A, %dma_start3A, %dma_start3A_12] : memref<32x79x128xi32, #tpu.memory_space<hbm>> -> memref<1x79x128xi32, #tpu.memory_space<hbm>>
      %dma_start3A_14 = tpu.memref_squeeze %dma_start3A_13 : memref<1x79x128xi32, #tpu.memory_space<hbm>> -> memref<79x128xi32, #tpu.memory_space<hbm>>
      %dma_start3A_15 = arith.constant 0 : i32
      %dma_start3A_16 = arith.constant 0 : i32
      %dma_start3A_17 = tpu.memref_slice %arg4[%add3A, %dma_start3A_15, %dma_start3A_16] : memref<32x79x128xi32, #tpu.memory_space<hbm>> -> memref<1x79x128xi32, #tpu.memory_space<hbm>>
      %dma_start3A_18 = tpu.memref_squeeze %dma_start3A_17 : memref<1x79x128xi32, #tpu.memory_space<hbm>> -> memref<79x128xi32, #tpu.memory_space<hbm>>
      tpu.enqueue_dma source(%dma_start3A_18 : memref<79x128xi32, #tpu.memory_space<hbm>>) target(%arg8 : memref<79x128xi32, #tpu.memory_space<vmem>>) target_semaphore(%run_scoped3A : memref<!tpu.dma_semaphore, #tpu.memory_space<semaphore_mem>>)
      %dma_wait3A = arith.constant 0 : i32
      %dma_wait3A_19 = arith.constant 0 : i32
      %dma_wait3A_20 = tpu.memref_slice %arg4[%add3A, %dma_wait3A, %dma_wait3A_19] : memref<32x79x128xi32, #tpu.memory_space<hbm>> -> memref<1x79x128xi32, #tpu.memory_space<hbm>>
      %dma_wait3A_21 = tpu.memref_squeeze %dma_wait3A_20 : memref<1x79x128xi32, #tpu.memory_space<hbm>> -> memref<79x128xi32, #tpu.memory_space<hbm>>
      %dma_wait3A_22 = arith.constant 0 : i32
      %dma_wait3A_23 = arith.constant 0 : i32
      %dma_wait3A_24 = tpu.memref_slice %arg4[%add3A, %dma_wait3A_22, %dma_wait3A_23] : memref<32x79x128xi32, #tpu.memory_space<hbm>> -> memref<1x79x128xi32, #tpu.memory_space<hbm>>
      %dma_wait3A_25 = tpu.memref_squeeze %dma_wait3A_24 : memref<1x79x128xi32, #tpu.memory_space<hbm>> -> memref<79x128xi32, #tpu.memory_space<hbm>>
      tpu.wait_dma2 semaphore(%run_scoped3A : memref<!tpu.dma_semaphore, #tpu.memory_space<semaphore_mem>>) src(%dma_wait3A_25 : memref<79x128xi32, #tpu.memory_space<hbm>>) dst(%arg8 : memref<79x128xi32, #tpu.memory_space<vmem>>)
      tpu.yield
    }) : () -> ()
    %barrier3A = arith.constant 0 : index
    tpu.barrier barrier_id(%barrier3A)
    %scan3A = arith.constant 0 : i64
    %scan3A_3 = arith.constant 0 : i32
    %scan3A_4 = arith.constant 79 : i32
    %scan3A_5 = arith.addi %scan3A_3, %scan3A_4 : i32
    %scan3A_6 = arith.constant 1 : i32
    scf.for %scan3A_12 = %scan3A_3 to %scan3A_5 step %scan3A_6  : i32 {
      %dma_start3A = arith.constant 0 : i32
      %dma_start3A_13 = tpu.memref_slice %arg7[%scan3A_12, %dma_start3A] : memref<79x128xi32, #tpu.memory_space<vmem>> -> memref<1x128xi32, #tpu.memory_space<vmem>>
      %dma_start3A_14 = tpu.memref_squeeze %dma_start3A_13 : memref<1x128xi32, #tpu.memory_space<vmem>> -> memref<128xi32, #tpu.memory_space<vmem>>
      %dma_start3A_15 = arith.constant 0 : i32
      %dma_start3A_16 = arith.constant 0 : i32
      %dma_start3A_17 = tpu.memref_slice %arg2[%dma_start3A_15, %dma_start3A_16] : memref<10000x128xf32, #tpu.memory_space<hbm>> -> memref<10000x128xf32, #tpu.memory_space<hbm>>
      tpu.enqueue_indirect_dma source(%dma_start3A_17 : memref<10000x128xf32, #tpu.memory_space<hbm>>) target(%arg9 : memref<128x128xf32, #tpu.memory_space<vmem>>) offsets(%dma_start3A_14 : memref<128xi32, #tpu.memory_space<vmem>>) semaphore(%arg11 : memref<!tpu.dma_semaphore, #tpu.memory_space<semaphore_mem>>)
      %dma_wait3A = arith.constant 0 : i32
      %dma_wait3A_18 = tpu.memref_slice %arg7[%scan3A_12, %dma_wait3A] : memref<79x128xi32, #tpu.memory_space<vmem>> -> memref<1x128xi32, #tpu.memory_space<vmem>>
      %dma_wait3A_19 = tpu.memref_squeeze %dma_wait3A_18 : memref<1x128xi32, #tpu.memory_space<vmem>> -> memref<128xi32, #tpu.memory_space<vmem>>
      %dma_wait3A_20 = arith.constant 0 : i32
      %dma_wait3A_21 = arith.constant 0 : i32
      %dma_wait3A_22 = tpu.memref_slice %arg2[%dma_wait3A_20, %dma_wait3A_21] : memref<10000x128xf32, #tpu.memory_space<hbm>> -> memref<10000x128xf32, #tpu.memory_space<hbm>>
      tpu.wait_indirect_dma semaphore(%arg11 : memref<!tpu.dma_semaphore, #tpu.memory_space<semaphore_mem>>) src(%dma_wait3A_22 : memref<10000x128xf32, #tpu.memory_space<hbm>>) dst(%arg9 : memref<128x128xf32, #tpu.memory_space<vmem>>)
      "tpu.region"() ({
        %run_scoped3A = tpu.sem_alloc : memref<!tpu.dma_semaphore, #tpu.memory_space<semaphore_mem>>
        %dma_start3A_23 = arith.constant 0 : i32
        %dma_start3A_24 = tpu.memref_slice %arg8[%scan3A_12, %dma_start3A_23] : memref<79x128xi32, #tpu.memory_space<vmem>> -> memref<1x128xi32, #tpu.memory_space<vmem>>
        %dma_start3A_25 = tpu.memref_squeeze %dma_start3A_24 : memref<1x128xi32, #tpu.memory_space<vmem>> -> memref<128xi32, #tpu.memory_space<vmem>>
        %dma_start3A_26 = arith.constant 0 : i32
        %dma_start3A_27 = arith.constant 0 : i32
        %dma_start3A_28 = tpu.memref_slice %arg10[%dma_start3A_26, %dma_start3A_27] : memref<10112x128xf32, #tpu.memory_space<vmem_shared>> -> memref<10112x128xf32, #tpu.memory_space<vmem_shared>>
        tpu.enqueue_indirect_dma source(%arg9 : memref<128x128xf32, #tpu.memory_space<vmem>>) target(%dma_start3A_28 : memref<10112x128xf32, #tpu.memory_space<vmem_shared>>) offsets(%dma_start3A_25 : memref<128xi32, #tpu.memory_space<vmem>>) semaphore(%run_scoped3A : memref<!tpu.dma_semaphore, #tpu.memory_space<semaphore_mem>>) {add = true}
        %dma_wait3A_29 = arith.constant 0 : i32
        %dma_wait3A_30 = tpu.memref_slice %arg8[%scan3A_12, %dma_wait3A_29] : memref<79x128xi32, #tpu.memory_space<vmem>> -> memref<1x128xi32, #tpu.memory_space<vmem>>
        %dma_wait3A_31 = tpu.memref_squeeze %dma_wait3A_30 : memref<1x128xi32, #tpu.memory_space<vmem>> -> memref<128xi32, #tpu.memory_space<vmem>>
        %dma_wait3A_32 = arith.constant 0 : i32
        %dma_wait3A_33 = arith.constant 0 : i32
        %dma_wait3A_34 = tpu.memref_slice %arg10[%dma_wait3A_32, %dma_wait3A_33] : memref<10112x128xf32, #tpu.memory_space<vmem_shared>> -> memref<10112x128xf32, #tpu.memory_space<vmem_shared>>
        tpu.wait_indirect_dma semaphore(%run_scoped3A : memref<!tpu.dma_semaphore, #tpu.memory_space<semaphore_mem>>) src(%arg9 : memref<128x128xf32, #tpu.memory_space<vmem>>) dst(%dma_wait3A_34 : memref<10112x128xf32, #tpu.memory_space<vmem_shared>>)
        tpu.yield
      }) : () -> ()
    }
    %scan3A_7 = arith.constant 79 : i32
    %barrier3A_8 = arith.constant 0 : index
    tpu.barrier barrier_id(%barrier3A_8)
    %mul3A_9 = arith.constant 10112 : i32
    %mul3A_10 = arith.muli %arg0, %mul3A_9 : i32
    %add3A_11 = arith.addi %mul3A_10, %mul3A_2 : i32
    "tpu.region"() ({
      %run_scoped3A = tpu.sem_alloc : memref<!tpu.dma_semaphore, #tpu.memory_space<semaphore_mem>>
      %dma_start3A = arith.constant 0 : i32
      %dma_start3A_12 = tpu.memref_slice %arg6[%add3A_11, %dma_start3A] : memref<20224x128xf32, #tpu.memory_space<hbm>> -> memref<632x128xf32, #tpu.memory_space<hbm>>
      %dma_start3A_13 = arith.constant 0 : i32
      %dma_start3A_14 = tpu.memref_slice %arg10[%mul3A_2, %dma_start3A_13] : memref<10112x128xf32, #tpu.memory_space<vmem_shared>> -> memref<632x128xf32, #tpu.memory_space<vmem_shared>>
      tpu.enqueue_dma source(%dma_start3A_14 : memref<632x128xf32, #tpu.memory_space<vmem_shared>>) target(%dma_start3A_12 : memref<632x128xf32, #tpu.memory_space<hbm>>) target_semaphore(%run_scoped3A : memref<!tpu.dma_semaphore, #tpu.memory_space<semaphore_mem>>)
      %dma_wait3A = arith.constant 0 : i32
      %dma_wait3A_15 = tpu.memref_slice %arg6[%add3A_11, %dma_wait3A] : memref<20224x128xf32, #tpu.memory_space<hbm>> -> memref<632x128xf32, #tpu.memory_space<hbm>>
      %dma_wait3A_16 = arith.constant 0 : i32
      %dma_wait3A_17 = tpu.memref_slice %arg10[%mul3A_2, %dma_wait3A_16] : memref<10112x128xf32, #tpu.memory_space<vmem_shared>> -> memref<632x128xf32, #tpu.memory_space<vmem_shared>>
      tpu.wait_dma2 semaphore(%run_scoped3A : memref<!tpu.dma_semaphore, #tpu.memory_space<semaphore_mem>>) src(%dma_wait3A_17 : memref<632x128xf32, #tpu.memory_space<vmem_shared>>) dst(%dma_wait3A_15 : memref<632x128xf32, #tpu.memory_space<hbm>>)
      tpu.yield
    }) : () -> ()
    return
  }
}

module attributes {stable_mosaic.version = 14 : i64} {
  func.func @_prep_body(%arg0: memref<2528x128xi32, #tpu.memory_space<vmem>>, %arg1: memref<2528x128xi32, #tpu.memory_space<vmem>>, %arg2: memref<2528x128xi32, #tpu.memory_space<vmem>>) attributes {dimension_semantics = [], scalar_prefetch = 0 : i64, scratch_operands = 0 : i64, tpu.core_type = #tpu.core_type<tc>} {
    %get3A = arith.constant 0 : index
    %get3A_0 = arith.constant 0 : index
    %get3A_1 = vector.load %arg0[%get3A, %get3A_0] : memref<2528x128xi32, #tpu.memory_space<vmem>>, vector<2528x128xi32>
    %get3A_2 = arith.constant 0 : index
    %get3A_3 = arith.constant 0 : index
    %get3A_4 = vector.load %arg1[%get3A_2, %get3A_3] : memref<2528x128xi32, #tpu.memory_space<vmem>>, vector<2528x128xi32>
    %eq3A = arith.cmpi eq, %get3A_1, %get3A_4 : vector<2528x128xi32>
    %jit3A = arith.constant 10000 : i64
    %convert_element_type3A = arith.trunci %jit3A : i64 to i32
    %broadcast_in_dim3A = vector.broadcast %convert_element_type3A : i32 to vector<2528x128xi32>
    %select_n3A = arith.select %eq3A, %broadcast_in_dim3A, %get3A_4 : vector<2528x128xi1>, vector<2528x128xi32>
    %swap3A = arith.constant 0 : index
    %swap3A_5 = arith.constant 0 : index
    %swap3A_6 = vector.load %arg2[%swap3A, %swap3A_5] : memref<2528x128xi32, #tpu.memory_space<vmem>>, vector<2528x128xi32>
    tpu.vector_store %arg2[%swap3A, %swap3A_5], %select_n3A {strides = array<i32>} : memref<2528x128xi32, #tpu.memory_space<vmem>>, vector<2528x128xi32>,
    return
  }
}

module attributes {stable_mosaic.version = 14 : i64} {
  func.func @_mm_body(%arg0: i32, %arg1: memref<2000x128xf32, #tpu.memory_space<vmem>>, %arg2: memref<128x128xf32, #tpu.memory_space<vmem>>, %arg3: memref<2000x128xf32, #tpu.memory_space<vmem>>) attributes {dimension_semantics = [#tpu.dimension_semantics<arbitrary>], iteration_bounds = array<i64: 5>, scalar_prefetch = 0 : i64, scratch_operands = 0 : i64, tpu.core_type = #tpu.core_type<tc>, window_params = [{transform_indices = @transform_0, window_bounds = array<i64: 2000, 128>}, {pipeline_mode = #tpu.pipeline_mode<synchronous>, transform_indices = @transform_1, window_bounds = array<i64: 128, 128>}, {transform_indices = @transform_2, window_bounds = array<i64: 2000, 128>}]} {
    %get3A = arith.constant 0 : index
    %get3A_0 = arith.constant 0 : index
    %get3A_1 = vector.load %arg1[%get3A, %get3A_0] : memref<2000x128xf32, #tpu.memory_space<vmem>>, vector<2000x128xf32>
    %get3A_2 = arith.constant 0 : index
    %get3A_3 = arith.constant 0 : index
    %get3A_4 = vector.load %arg2[%get3A_2, %get3A_3] : memref<128x128xf32, #tpu.memory_space<vmem>>, vector<128x128xf32>
    %dot_general3A = arith.constant dense<0.000000e+00> : vector<2000x128xf32>
    %dot_general3A_5 = tpu.matmul %get3A_1, %get3A_4, %dot_general3A {dimension_numbers = #tpu.dot_dimension_numbers<[1], [1], [0], [0], [0, 0, 1, 0], [], []>, transpose_lhs_hint = false} : vector<2000x128xf32>, vector<128x128xf32>, vector<2000x128xf32> -> vector<2000x128xf32>
    %swap3A = arith.constant 0 : index
    %swap3A_6 = arith.constant 0 : index
    %swap3A_7 = vector.load %arg3[%swap3A, %swap3A_6] : memref<2000x128xf32, #tpu.memory_space<vmem>>, vector<2000x128xf32>
    tpu.vector_store %arg3[%swap3A, %swap3A_6], %dot_general3A_5 {strides = array<i32>} : memref<2000x128xf32, #tpu.memory_space<vmem>>, vector<2000x128xf32>,
    return
  }
  func.func @transform_0(%arg0: i32) -> (i32, i32) {
    %c0_i32 = arith.constant 0 : i32
    %c0_i32_0 = arith.constant 0 : i32
    return %arg0, %c0_i32 : i32, i32
  }
  func.func @transform_1(%arg0: i32) -> (i32, i32) {
    %c0_i32 = arith.constant 0 : i32
    %c0_i32_0 = arith.constant 0 : i32
    %c0_i32_1 = arith.constant 0 : i32
    return %c0_i32, %c0_i32_0 : i32, i32
  }
  func.func @transform_2(%arg0: i32) -> (i32, i32) {
    %c0_i32 = arith.constant 0 : i32
    %c0_i32_0 = arith.constant 0 : i32
    return %arg0, %c0_i32 : i32, i32
  }
}

module attributes {stable_mosaic.version = 14 : i64} {
  func.func @_ep_mm_body(%arg0: i32, %arg1: memref<2000x128xf32, #tpu.memory_space<vmem>>, %arg2: memref<2000x128xf32, #tpu.memory_space<vmem>>, %arg3: memref<2000x128xf32, #tpu.memory_space<vmem>>, %arg4: memref<2000x1xf32, #tpu.memory_space<vmem>>, %arg5: memref<2000x1xf32, #tpu.memory_space<vmem>>, %arg6: memref<1x128xf32, #tpu.memory_space<vmem>>, %arg7: memref<128x128xf32, #tpu.memory_space<vmem>>, %arg8: memref<2000x128xf32, #tpu.memory_space<vmem>>) attributes {dimension_semantics = [#tpu.dimension_semantics<arbitrary>], iteration_bounds = array<i64: 5>, scalar_prefetch = 0 : i64, scratch_operands = 0 : i64, tpu.core_type = #tpu.core_type<tc>, window_params = [{transform_indices = @transform_0, window_bounds = array<i64: 2000, 128>}, {transform_indices = @transform_1, window_bounds = array<i64: 2000, 128>}, {transform_indices = @transform_2, window_bounds = array<i64: 2000, 128>}, {transform_indices = @transform_3, window_bounds = array<i64: 2000, 1>}, {transform_indices = @transform_4, window_bounds = array<i64: 2000, 1>}, {pipeline_mode = #tpu.pipeline_mode<synchronous>, transform_indices = @transform_5, window_bounds = array<i64: 1, 128>}, {pipeline_mode = #tpu.pipeline_mode<synchronous>, transform_indices = @transform_6, window_bounds = array<i64: 128, 128>}, {transform_indices = @transform_7, window_bounds = array<i64: 2000, 128>}]} {
    %get3A = arith.constant 0 : index
    %get3A_0 = arith.constant 0 : index
    %get3A_1 = vector.load %arg4[%get3A, %get3A_0] : memref<2000x1xf32, #tpu.memory_space<vmem>>, vector<2000x1xf32>
    %get3A_2 = arith.constant 0 : index
    %get3A_3 = arith.constant 0 : index
    %get3A_4 = vector.load %arg5[%get3A_2, %get3A_3] : memref<2000x1xf32, #tpu.memory_space<vmem>>, vector<2000x1xf32>
    %add3A = arith.addf %get3A_1, %get3A_4 : vector<2000x1xf32>
    %add3A_5 = arith.constant 2.000000e+00 : f32
    %add3A_6 = vector.broadcast %add3A_5 : f32 to vector<2000x1xf32>
    %add3A_7 = arith.addf %add3A, %add3A_6 : vector<2000x1xf32>
    %div3A = arith.constant 1.000000e+00 : f32
    %div3A_8 = vector.broadcast %div3A : f32 to vector<2000x1xf32>
    %div3A_9 = arith.divf %div3A_8, %add3A_7 : vector<2000x1xf32>
    %get3A_10 = arith.constant 0 : index
    %get3A_11 = arith.constant 0 : index
    %get3A_12 = vector.load %arg1[%get3A_10, %get3A_11] : memref<2000x128xf32, #tpu.memory_space<vmem>>, vector<2000x128xf32>
    %get3A_13 = arith.constant 0 : index
    %get3A_14 = arith.constant 0 : index
    %get3A_15 = vector.load %arg2[%get3A_13, %get3A_14] : memref<2000x128xf32, #tpu.memory_space<vmem>>, vector<2000x128xf32>
    %add3A_16 = arith.addf %get3A_12, %get3A_15 : vector<2000x128xf32>
    %get3A_17 = arith.constant 0 : index
    %get3A_18 = arith.constant 0 : index
    %get3A_19 = vector.load %arg3[%get3A_17, %get3A_18] : memref<2000x128xf32, #tpu.memory_space<vmem>>, vector<2000x128xf32>
    %mul3A = arith.constant 2.000000e+00 : f32
    %mul3A_20 = vector.broadcast %mul3A : f32 to vector<2000x128xf32>
    %mul3A_21 = arith.mulf %mul3A_20, %get3A_19 : vector<2000x128xf32>
    %add3A_22 = arith.addf %add3A_16, %mul3A_21 : vector<2000x128xf32>
    %mul3A_23 = vector.broadcast %div3A_9 : vector<2000x1xf32> to vector<2000x128xf32>
    %mul3A_24 = arith.mulf %add3A_22, %mul3A_23 : vector<2000x128xf32>
    %get3A_25 = arith.constant 0 : index
    %get3A_26 = arith.constant 0 : index
    %get3A_27 = vector.load %arg6[%get3A_25, %get3A_26] : memref<1x128xf32, #tpu.memory_space<vmem>>, vector<1x128xf32>
    %add3A_28 = vector.broadcast %get3A_27 : vector<1x128xf32> to vector<2000x128xf32>
    %add3A_29 = arith.addf %mul3A_24, %add3A_28 : vector<2000x128xf32>
    %max3A = arith.constant 0.000000e+00 : f32
    %max3A_30 = vector.broadcast %max3A : f32 to vector<2000x128xf32>
    %max3A_31 = arith.maximumf %add3A_29, %max3A_30 : vector<2000x128xf32>
    %get3A_32 = arith.constant 0 : index
    %get3A_33 = arith.constant 0 : index
    %get3A_34 = vector.load %arg7[%get3A_32, %get3A_33] : memref<128x128xf32, #tpu.memory_space<vmem>>, vector<128x128xf32>
    %dot_general3A = arith.constant dense<0.000000e+00> : vector<2000x128xf32>
    %dot_general3A_35 = tpu.matmul %max3A_31, %get3A_34, %dot_general3A {dimension_numbers = #tpu.dot_dimension_numbers<[1], [1], [0], [0], [0, 0, 1, 0], [], []>, transpose_lhs_hint = false} : vector<2000x128xf32>, vector<128x128xf32>, vector<2000x128xf32> -> vector<2000x128xf32>
    %swap3A = arith.constant 0 : index
    %swap3A_36 = arith.constant 0 : index
    %swap3A_37 = vector.load %arg8[%swap3A, %swap3A_36] : memref<2000x128xf32, #tpu.memory_space<vmem>>, vector<2000x128xf32>
    tpu.vector_store %arg8[%swap3A, %swap3A_36], %dot_general3A_35 {strides = array<i32>} : memref<2000x128xf32, #tpu.memory_space<vmem>>, vector<2000x128xf32>,
    return
  }
  func.func @transform_0(%arg0: i32) -> (i32, i32) {
    %c0_i32 = arith.constant 0 : i32
    %c0_i32_0 = arith.constant 0 : i32
    return %arg0, %c0_i32 : i32, i32
  }
  func.func @transform_1(%arg0: i32) -> (i32, i32) {
    %c0_i32 = arith.constant 0 : i32
    %c0_i32_0 = arith.constant 0 : i32
    return %arg0, %c0_i32 : i32, i32
  }
  func.func @transform_2(%arg0: i32) -> (i32, i32) {
    %c0_i32 = arith.constant 0 : i32
    %c0_i32_0 = arith.constant 0 : i32
    return %arg0, %c0_i32 : i32, i32
  }
  func.func @transform_3(%arg0: i32) -> (i32, i32) {
    %c0_i32 = arith.constant 0 : i32
    %c0_i32_0 = arith.constant 0 : i32
    return %arg0, %c0_i32 : i32, i32
  }
  func.func @transform_4(%arg0: i32) -> (i32, i32) {
    %c0_i32 = arith.constant 0 : i32
    %c0_i32_0 = arith.constant 0 : i32
    return %arg0, %c0_i32 : i32, i32
  }
  func.func @transform_5(%arg0: i32) -> (i32, i32) {
    %c0_i32 = arith.constant 0 : i32
    %c0_i32_0 = arith.constant 0 : i32
    %c0_i32_1 = arith.constant 0 : i32
    return %c0_i32, %c0_i32_0 : i32, i32
  }
  func.func @transform_6(%arg0: i32) -> (i32, i32) {
    %c0_i32 = arith.constant 0 : i32
    %c0_i32_0 = arith.constant 0 : i32
    %c0_i32_1 = arith.constant 0 : i32
    return %c0_i32, %c0_i32_0 : i32, i32
  }
  func.func @transform_7(%arg0: i32) -> (i32, i32) {
    %c0_i32 = arith.constant 0 : i32
    %c0_i32_0 = arith.constant 0 : i32
    return %arg0, %c0_i32 : i32, i32
  }
}

module attributes {stable_mosaic.version = 14 : i64} {
  func.func @_ep_mm_body(%arg0: i32, %arg1: memref<2000x128xf32, #tpu.memory_space<vmem>>, %arg2: memref<2000x128xf32, #tpu.memory_space<vmem>>, %arg3: memref<2000x128xf32, #tpu.memory_space<vmem>>, %arg4: memref<2000x1xf32, #tpu.memory_space<vmem>>, %arg5: memref<2000x1xf32, #tpu.memory_space<vmem>>, %arg6: memref<1x128xf32, #tpu.memory_space<vmem>>, %arg7: memref<64x128xf32, #tpu.memory_space<vmem>>, %arg8: memref<2000x128xf32, #tpu.memory_space<vmem>>) attributes {dimension_semantics = [#tpu.dimension_semantics<arbitrary>], iteration_bounds = array<i64: 5>, scalar_prefetch = 0 : i64, scratch_operands = 0 : i64, tpu.core_type = #tpu.core_type<tc>, window_params = [{transform_indices = @transform_0, window_bounds = array<i64: 2000, 128>}, {transform_indices = @transform_1, window_bounds = array<i64: 2000, 128>}, {transform_indices = @transform_2, window_bounds = array<i64: 2000, 128>}, {transform_indices = @transform_3, window_bounds = array<i64: 2000, 1>}, {transform_indices = @transform_4, window_bounds = array<i64: 2000, 1>}, {pipeline_mode = #tpu.pipeline_mode<synchronous>, transform_indices = @transform_5, window_bounds = array<i64: 1, 128>}, {pipeline_mode = #tpu.pipeline_mode<synchronous>, transform_indices = @transform_6, window_bounds = array<i64: 64, 128>}, {transform_indices = @transform_7, window_bounds = array<i64: 2000, 128>}]} {
    %get3A = arith.constant 0 : index
    %get3A_0 = arith.constant 0 : index
    %get3A_1 = vector.load %arg4[%get3A, %get3A_0] : memref<2000x1xf32, #tpu.memory_space<vmem>>, vector<2000x1xf32>
    %get3A_2 = arith.constant 0 : index
    %get3A_3 = arith.constant 0 : index
    %get3A_4 = vector.load %arg5[%get3A_2, %get3A_3] : memref<2000x1xf32, #tpu.memory_space<vmem>>, vector<2000x1xf32>
    %add3A = arith.addf %get3A_1, %get3A_4 : vector<2000x1xf32>
    %add3A_5 = arith.constant 2.000000e+00 : f32
    %add3A_6 = vector.broadcast %add3A_5 : f32 to vector<2000x1xf32>
    %add3A_7 = arith.addf %add3A, %add3A_6 : vector<2000x1xf32>
    %div3A = arith.constant 1.000000e+00 : f32
    %div3A_8 = vector.broadcast %div3A : f32 to vector<2000x1xf32>
    %div3A_9 = arith.divf %div3A_8, %add3A_7 : vector<2000x1xf32>
    %get3A_10 = arith.constant 0 : index
    %get3A_11 = arith.constant 0 : index
    %get3A_12 = vector.load %arg1[%get3A_10, %get3A_11] : memref<2000x128xf32, #tpu.memory_space<vmem>>, vector<2000x128xf32>
    %get3A_13 = arith.constant 0 : index
    %get3A_14 = arith.constant 0 : index
    %get3A_15 = vector.load %arg2[%get3A_13, %get3A_14] : memref<2000x128xf32, #tpu.memory_space<vmem>>, vector<2000x128xf32>
    %add3A_16 = arith.addf %get3A_12, %get3A_15 : vector<2000x128xf32>
    %get3A_17 = arith.constant 0 : index
    %get3A_18 = arith.constant 0 : index
    %get3A_19 = vector.load %arg3[%get3A_17, %get3A_18] : memref<2000x128xf32, #tpu.memory_space<vmem>>, vector<2000x128xf32>
    %mul3A = arith.constant 2.000000e+00 : f32
    %mul3A_20 = vector.broadcast %mul3A : f32 to vector<2000x128xf32>
    %mul3A_21 = arith.mulf %mul3A_20, %get3A_19 : vector<2000x128xf32>
    %add3A_22 = arith.addf %add3A_16, %mul3A_21 : vector<2000x128xf32>
    %mul3A_23 = vector.broadcast %div3A_9 : vector<2000x1xf32> to vector<2000x128xf32>
    %mul3A_24 = arith.mulf %add3A_22, %mul3A_23 : vector<2000x128xf32>
    %get3A_25 = arith.constant 0 : index
    %get3A_26 = arith.constant 0 : index
    %get3A_27 = vector.load %arg6[%get3A_25, %get3A_26] : memref<1x128xf32, #tpu.memory_space<vmem>>, vector<1x128xf32>
    %add3A_28 = vector.broadcast %get3A_27 : vector<1x128xf32> to vector<2000x128xf32>
    %add3A_29 = arith.addf %mul3A_24, %add3A_28 : vector<2000x128xf32>
    %max3A = arith.constant 0.000000e+00 : f32
    %max3A_30 = vector.broadcast %max3A : f32 to vector<2000x128xf32>
    %max3A_31 = arith.maximumf %add3A_29, %max3A_30 : vector<2000x128xf32>
    %get3A_32 = arith.constant 0 : index
    %get3A_33 = arith.constant 0 : index
    %get3A_34 = vector.load %arg7[%get3A_32, %get3A_33] : memref<64x128xf32, #tpu.memory_space<vmem>>, vector<64x128xf32>
    %dot_general3A = arith.constant dense<0.000000e+00> : vector<2000x64xf32>
    %dot_general3A_35 = tpu.matmul %max3A_31, %get3A_34, %dot_general3A {dimension_numbers = #tpu.dot_dimension_numbers<[1], [1], [0], [0], [0, 0, 1, 0], [], []>, transpose_lhs_hint = false} : vector<2000x128xf32>, vector<64x128xf32>, vector<2000x64xf32> -> vector<2000x64xf32>
    %broadcast_in_dim3A = arith.constant 0.000000e+00 : f32
    %broadcast_in_dim3A_36 = vector.broadcast %broadcast_in_dim3A : f32 to vector<2000x64xf32>
    %concatenate3A = tpu.concatenate %dot_general3A_35, %broadcast_in_dim3A_36 in 1 : vector<2000x64xf32>, vector<2000x64xf32> -> vector<2000x128xf32>
    %swap3A = arith.constant 0 : index
    %swap3A_37 = arith.constant 0 : index
    %swap3A_38 = vector.load %arg8[%swap3A, %swap3A_37] : memref<2000x128xf32, #tpu.memory_space<vmem>>, vector<2000x128xf32>
    tpu.vector_store %arg8[%swap3A, %swap3A_37], %concatenate3A {strides = array<i32>} : memref<2000x128xf32, #tpu.memory_space<vmem>>, vector<2000x128xf32>,
    return
  }
  func.func @transform_0(%arg0: i32) -> (i32, i32) {
    %c0_i32 = arith.constant 0 : i32
    %c0_i32_0 = arith.constant 0 : i32
    return %arg0, %c0_i32 : i32, i32
  }
  func.func @transform_1(%arg0: i32) -> (i32, i32) {
    %c0_i32 = arith.constant 0 : i32
    %c0_i32_0 = arith.constant 0 : i32
    return %arg0, %c0_i32 : i32, i32
  }
  func.func @transform_2(%arg0: i32) -> (i32, i32) {
    %c0_i32 = arith.constant 0 : i32
    %c0_i32_0 = arith.constant 0 : i32
    return %arg0, %c0_i32 : i32, i32
  }
  func.func @transform_3(%arg0: i32) -> (i32, i32) {
    %c0_i32 = arith.constant 0 : i32
    %c0_i32_0 = arith.constant 0 : i32
    return %arg0, %c0_i32 : i32, i32
  }
  func.func @transform_4(%arg0: i32) -> (i32, i32) {
    %c0_i32 = arith.constant 0 : i32
    %c0_i32_0 = arith.constant 0 : i32
    return %arg0, %c0_i32 : i32, i32
  }
  func.func @transform_5(%arg0: i32) -> (i32, i32) {
    %c0_i32 = arith.constant 0 : i32
    %c0_i32_0 = arith.constant 0 : i32
    %c0_i32_1 = arith.constant 0 : i32
    return %c0_i32, %c0_i32_0 : i32, i32
  }
  func.func @transform_6(%arg0: i32) -> (i32, i32) {
    %c0_i32 = arith.constant 0 : i32
    %c0_i32_0 = arith.constant 0 : i32
    %c0_i32_1 = arith.constant 0 : i32
    return %c0_i32, %c0_i32_0 : i32, i32
  }
  func.func @transform_7(%arg0: i32) -> (i32, i32) {
    %c0_i32 = arith.constant 0 : i32
    %c0_i32_0 = arith.constant 0 : i32
    return %arg0, %c0_i32 : i32, i32
  }
}

module attributes {stable_mosaic.version = 14 : i64} {
  func.func @_ep_body(%arg0: i32, %arg1: memref<2000x64xf32, #tpu.memory_space<vmem>>, %arg2: memref<2000x64xf32, #tpu.memory_space<vmem>>, %arg3: memref<2000x64xf32, #tpu.memory_space<vmem>>, %arg4: memref<2000x1xf32, #tpu.memory_space<vmem>>, %arg5: memref<2000x1xf32, #tpu.memory_space<vmem>>, %arg6: memref<1x64xf32, #tpu.memory_space<vmem>>, %arg7: memref<2000x64xf32, #tpu.memory_space<vmem>>) attributes {dimension_semantics = [#tpu.dimension_semantics<arbitrary>], iteration_bounds = array<i64: 5>, scalar_prefetch = 0 : i64, scratch_operands = 0 : i64, tpu.core_type = #tpu.core_type<tc>, window_params = [{transform_indices = @transform_0, window_bounds = array<i64: 2000, 64>}, {transform_indices = @transform_1, window_bounds = array<i64: 2000, 64>}, {transform_indices = @transform_2, window_bounds = array<i64: 2000, 64>}, {transform_indices = @transform_3, window_bounds = array<i64: 2000, 1>}, {transform_indices = @transform_4, window_bounds = array<i64: 2000, 1>}, {pipeline_mode = #tpu.pipeline_mode<synchronous>, transform_indices = @transform_5, window_bounds = array<i64: 1, 64>}, {transform_indices = @transform_6, window_bounds = array<i64: 2000, 64>}]} {
    %get3A = arith.constant 0 : index
    %get3A_0 = arith.constant 0 : index
    %get3A_1 = vector.load %arg4[%get3A, %get3A_0] : memref<2000x1xf32, #tpu.memory_space<vmem>>, vector<2000x1xf32>
    %get3A_2 = arith.constant 0 : index
    %get3A_3 = arith.constant 0 : index
    %get3A_4 = vector.load %arg5[%get3A_2, %get3A_3] : memref<2000x1xf32, #tpu.memory_space<vmem>>, vector<2000x1xf32>
    %add3A = arith.addf %get3A_1, %get3A_4 : vector<2000x1xf32>
    %add3A_5 = arith.constant 2.000000e+00 : f32
    %add3A_6 = vector.broadcast %add3A_5 : f32 to vector<2000x1xf32>
    %add3A_7 = arith.addf %add3A, %add3A_6 : vector<2000x1xf32>
    %div3A = arith.constant 1.000000e+00 : f32
    %div3A_8 = vector.broadcast %div3A : f32 to vector<2000x1xf32>
    %div3A_9 = arith.divf %div3A_8, %add3A_7 : vector<2000x1xf32>
    %get3A_10 = arith.constant 0 : index
    %get3A_11 = arith.constant 0 : index
    %get3A_12 = vector.load %arg1[%get3A_10, %get3A_11] : memref<2000x64xf32, #tpu.memory_space<vmem>>, vector<2000x64xf32>
    %get3A_13 = arith.constant 0 : index
    %get3A_14 = arith.constant 0 : index
    %get3A_15 = vector.load %arg2[%get3A_13, %get3A_14] : memref<2000x64xf32, #tpu.memory_space<vmem>>, vector<2000x64xf32>
    %add3A_16 = arith.addf %get3A_12, %get3A_15 : vector<2000x64xf32>
    %get3A_17 = arith.constant 0 : index
    %get3A_18 = arith.constant 0 : index
    %get3A_19 = vector.load %arg3[%get3A_17, %get3A_18] : memref<2000x64xf32, #tpu.memory_space<vmem>>, vector<2000x64xf32>
    %mul3A = arith.constant 2.000000e+00 : f32
    %mul3A_20 = vector.broadcast %mul3A : f32 to vector<2000x64xf32>
    %mul3A_21 = arith.mulf %mul3A_20, %get3A_19 : vector<2000x64xf32>
    %add3A_22 = arith.addf %add3A_16, %mul3A_21 : vector<2000x64xf32>
    %mul3A_23 = vector.broadcast %div3A_9 : vector<2000x1xf32> to vector<2000x64xf32>
    %mul3A_24 = arith.mulf %add3A_22, %mul3A_23 : vector<2000x64xf32>
    %get3A_25 = arith.constant 0 : index
    %get3A_26 = arith.constant 0 : index
    %get3A_27 = vector.load %arg6[%get3A_25, %get3A_26] : memref<1x64xf32, #tpu.memory_space<vmem>>, vector<1x64xf32>
    %add3A_28 = vector.broadcast %get3A_27 : vector<1x64xf32> to vector<2000x64xf32>
    %add3A_29 = arith.addf %mul3A_24, %add3A_28 : vector<2000x64xf32>
    %swap3A = arith.constant 0 : index
    %swap3A_30 = arith.constant 0 : index
    %swap3A_31 = vector.load %arg7[%swap3A, %swap3A_30] : memref<2000x64xf32, #tpu.memory_space<vmem>>, vector<2000x64xf32>
    tpu.vector_store %arg7[%swap3A, %swap3A_30], %add3A_29 {strides = array<i32>} : memref<2000x64xf32, #tpu.memory_space<vmem>>, vector<2000x64xf32>,
    return
  }
  func.func @transform_0(%arg0: i32) -> (i32, i32) {
    %c0_i32 = arith.constant 0 : i32
    %c0_i32_0 = arith.constant 0 : i32
    return %arg0, %c0_i32 : i32, i32
  }
  func.func @transform_1(%arg0: i32) -> (i32, i32) {
    %c0_i32 = arith.constant 0 : i32
    %c0_i32_0 = arith.constant 0 : i32
    return %arg0, %c0_i32 : i32, i32
  }
  func.func @transform_2(%arg0: i32) -> (i32, i32) {
    %c0_i32 = arith.constant 0 : i32
    %c0_i32_0 = arith.constant 0 : i32
    return %arg0, %c0_i32 : i32, i32
  }
  func.func @transform_3(%arg0: i32) -> (i32, i32) {
    %c0_i32 = arith.constant 0 : i32
    %c0_i32_0 = arith.constant 0 : i32
    return %arg0, %c0_i32 : i32, i32
  }
  func.func @transform_4(%arg0: i32) -> (i32, i32) {
    %c0_i32 = arith.constant 0 : i32
    %c0_i32_0 = arith.constant 0 : i32
    return %arg0, %c0_i32 : i32, i32
  }
  func.func @transform_5(%arg0: i32) -> (i32, i32) {
    %c0_i32 = arith.constant 0 : i32
    %c0_i32_0 = arith.constant 0 : i32
    %c0_i32_1 = arith.constant 0 : i32
    return %c0_i32, %c0_i32_0 : i32, i32
  }
  func.func @transform_6(%arg0: i32) -> (i32, i32) {
    %c0_i32 = arith.constant 0 : i32
    %c0_i32_0 = arith.constant 0 : i32
    return %arg0, %c0_i32 : i32, i32
  }
}

</mosaic_0001>

<sc_bundles>
// kernel: kernel.10.cloned.1.call-start
scs
__scs_entry_jumppad:
0x0: {  	(pc) =	sbr.rel $0x88, $3  }
0x1: {  	(tag) =	ssettag $0x0;
	lr =	simm.s32 $0x1  }
0x2: {  	[smem:$0x3F99] =	sst lr;
	_ =	strace $0xD0000000  }
0x3: {  	_ = 	snop  }
0x4: {  	_ = 	snop  }
0x5: {  	_ = 	snop  }
0x6: {  	_ = 	snop  }
0x7: {  	_ = 	snop  }
__scs_overlays_trampoline_lowered:
0x8: {  	[smem:$0x3FA8] =	sst s0  }
0x9: {  	[smem:$0x3FA9] =	sst s1  }
0xa: {  	[smem:$0x3FAA] =	sst s2  }
0xb: {  	[smem:$0x3FAB] =	sst s3  }
0xc: {  	[smem:$0x3FAC] =	sst s4  }
0xd: {  	[smem:$0x3FAD] =	sst s5  }
0xe: {  	[smem:$0x3FAE] =	sst s6  }
0xf: {  	[smem:$0x3FAF] =	sst s7  }
0x10: {  	[smem:$0x3FB0] =	sst s8  }
0x11: {  	[smem:$0x3FB1] =	sst s9;
	s0 =	simm.s32 @!p0 $0x0  }
0x12: {  	s1 =	sld [smem:$0x3F97];
	s0 =	simm.s32 @p0 $0x1  }
0x13: {  	[smem:$0x3FB2] =	sst s0;
	s0 =	simm.s32 @!p1 $0x0  }
0x14: {  	s2 =	sld [smem:$0x3F96];
	s0 =	simm.s32 @p1 $0x1  }
0x15: {  	[smem:$0x3FB3] =	sst s0;
	s0 =	simm.s32 @!p2 $0x0  }
0x16: {  	s3 =	sld [smem:$0x3FDB];
	s0 =	simm.s32 @p2 $0x1  }
0x17: {  	s4 =	simm.s32 $0x1BF5;
	[smem:$0x3FB5] =	sst s0  }
0x18: {  	s0 =	sld [smem:$0x3F98];
	_ =	swait.ge [sflag:s4], $0x0  }
0x19: {  	s7 =	sld [smem:$0x3F99]  }
0x1a: {  	s8 =	sadd.s32 $0xFFFFE003, lr  }
0x1b: {  	s9 =	sadd.s32 $0xFFFFFEF7, lr;
	s5 =	simm.s32 $0xFFFFFFFF;
	p2 =	slt.u32 s8, $0xFFFFF086  }
0x1c: {  	p1 =	slt.u32 s9, $0xF7A;
	s5 =	simm.s32 @!p2 $0x0  }
0x1d: {  	s5 =	simm.s32 @p1 $0x1;
	p0 =	seq.s32 s7, s2  }
0x1e: {  	s7 =	smul.u32 @!p0 $0xF7A, s2;
	p2 =	seq.s32 @!p0 s5, $0x0  }
0x1f: {  	s9 =	smul.u32 $0xF7A, s1;
	s8 =	simm.s32 @!p0 $0x1BF5;
	p2 =	por !p2, p0  }
0x20: {  	[sflag:s8] =	ssyncset.s32 @!p0 $0xFFFFF086;
	s6 =	sadd.s32 @!p0 s3, s7;
	s7 =	simm.s32 @!p0 $0x108  }
0x21: {  	s3 =	sadd.s32 s3, s9;
	s6 =	sadd.s32 @!p0 $0x88, s6;
	s7 =	simm.s32 @p2 $0x1082  }
0x22: {  	[simem:s7], [sflag:s8] =	dma.local @!p0 [hbm:s6], $0xF7A  }
0x23: {  	s9 =	sor.u32 $0xD0000000, s2;
	s6 =	simm.s32 $0x108;
	_ =	swait.ge @!p0 [sflag:s8], $0x0  }
0x24: {  	s3 =	sadd.s32 $0x88, s3;
	s6 =	simm.s32 @!p1 $0x1082;
	[sflag:s4] =	ssyncset.s32 $0xFFFFF086  }
0x25: {  	[simem:s6], [sflag:s4] =	dma.local [hbm:s3], $0xF7A  }
0x26: {  	[smem:$0x3F99] =	sst s1;
	(tag) =	ssettag s2;
	_ =	strace s9  }
0x27: {  	s1 =	sld [smem:$0x3FA9]  }
0x28: {  	s2 =	sld [smem:$0x3FAA]  }
0x29: {  	s4 =	sld [smem:$0x3FAC]  }
0x2a: {  	p0 =	seq.s32 s5, $0x0;
	s5 =	sld [smem:$0x3FAD]  }
0x2b: {  	s6 =	sld [smem:$0x3FAE]  }
0x2c: {  	s7 =	sld [smem:$0x3FAF]  }
0x2d: {  	s3 =	simm.s32 $0x108;
	s8 =	sld [smem:$0x3FB0]  }
0x2e: {  	s3 =	simm.s32 @!p0 $0x1082;
	s9 =	sld [smem:$0x3FB1]  }
0x2f: {  	lr =	sadd.s32 s0, s3;
	s0 =	sld [smem:$0x3FA8]  }
0x30: {  	s3 =	sld [smem:$0x3FAB]  }
0x31: {  	[smem:$0x3FB4] =	sst s10  }
0x32: {  	s10 =	sld [smem:$0x3FB2];
	_ =	sdelay $0x3  }
0x33: {  	p0 =	seq.s32 s10, $0x1;
	s10 =	sld [smem:$0x3FB4];
	_ =	sdelay $0x3  }
0x34: {  	[smem:$0x3FB4] =	sst s10  }
0x35: {  	s10 =	sld [smem:$0x3FB3];
	_ =	sdelay $0x3  }
0x36: {  	p1 =	seq.s32 s10, $0x1;
	s10 =	sld [smem:$0x3FB4];
	_ =	sdelay $0x3  }
0x37: {  	[smem:$0x3FB4] =	sst s10  }
0x38: {  	s10 =	sld [smem:$0x3FB5]  }
0x39: {  	_ = 	snop;
	(pc) =	sbr.ind lr, $3  }
0x3a: {  	_ = 	snop  }
0x3b: {  	_ = 	snop  }
0x3c: {  	p2 =	seq.s32 s10, $0x1;
	s10 =	sld [smem:$0x3FB4]  }
0x3d: {  	_ =	shalt  }
0x3e: {  	_ =	shalt  }
0x3f: {  	_ =	shalt  }
0x40: {  	_ =	shalt  }
0x41: {  	_ =	shalt  }
0x42: {  	_ =	shalt  }
0x43: {  	_ =	shalt  }
0x44: {  	_ =	shalt  }
0x45: {  	_ =	shalt  }
0x46: {  	_ =	shalt  }
0x47: {  	_ =	shalt  }
0x48: {  	_ =	shalt  }
0x49: {  	_ =	shalt  }
0x4a: {  	_ =	shalt  }
0x4b: {  	_ =	shalt  }
0x4c: {  	_ =	shalt  }
0x4d: {  	_ =	shalt  }
0x4e: {  	_ =	shalt  }
0x4f: {  	_ =	shalt  }
0x50: {  	_ =	shalt  }
0x51: {  	_ =	shalt  }
0x52: {  	_ =	shalt  }
0x53: {  	_ =	shalt  }
0x54: {  	_ =	shalt  }
0x55: {  	_ =	shalt  }
0x56: {  	_ =	shalt  }
0x57: {  	_ =	shalt  }
0x58: {  	_ =	shalt  }
0x59: {  	_ =	shalt  }
0x5a: {  	_ =	shalt  }
0x5b: {  	_ =	shalt  }
0x5c: {  	_ =	shalt  }
0x5d: {  	_ =	shalt  }
0x5e: {  	_ =	shalt  }
0x5f: {  	_ =	shalt  }
0x60: {  	_ =	shalt  }
0x61: {  	_ =	shalt  }
0x62: {  	_ =	shalt  }
0x63: {  	_ =	shalt  }
0x64: {  	_ =	shalt  }
0x65: {  	_ =	shalt  }
0x66: {  	_ =	shalt  }
0x67: {  	_ =	shalt  }
0x68: {  	_ =	shalt  }
0x69: {  	_ =	shalt  }
0x6a: {  	_ =	shalt  }
0x6b: {  	_ =	shalt  }
0x6c: {  	_ =	shalt  }
0x6d: {  	_ =	shalt  }
0x6e: {  	_ =	shalt  }
0x6f: {  	_ =	shalt  }
0x70: {  	_ =	shalt  }
0x71: {  	_ =	shalt  }
0x72: {  	_ =	shalt  }
0x73: {  	_ =	shalt  }
0x74: {  	_ =	shalt  }
0x75: {  	_ =	shalt  }
0x76: {  	_ =	shalt  }
0x77: {  	_ =	shalt  }
0x78: {  	_ =	shalt  }
0x79: {  	_ =	shalt  }
0x7a: {  	_ =	shalt  }
0x7b: {  	_ =	shalt  }
0x7c: {  	_ =	shalt  }
0x7d: {  	_ =	shalt  }
0x7e: {  	_ =	shalt  }
0x7f: {  	_ =	shalt  }
0x80: {  	_ =	shalt  }
0x81: {  	_ =	shalt  }
0x82: {  	_ =	shalt  }
0x83: {  	_ =	shalt  }
0x84: {  	_ =	shalt  }
0x85: {  	_ =	shalt  }
0x86: {  	_ =	shalt  }
0x87: {  	_ =	shalt  }
.Lfunc_end0:
.L_simem_size_0:
called_computation_lowered:
.L_overlay_start_0:
0x88: {  	s2 =	sld [smem:$0x3FD9]  }
0x89: {  	s3 =	sld [smem:$0x3FFE];
	_ =	sdelay $0x1  }
0x8a: {  	s1 =	srdreg.scid  }
0x8b: {  	s0 =	sand.u32 $0x1, s1  }
0x8c: {  	s17 =	sshll.u32 s0, $0xA;
	s2 =	sadd.s32 s3, s2  }
0x8d: {  	s2 =	sadd.s32 s2, s17  }
0x8e: {  	[smem:$0x3FC0] =	sst s2  }
0x8f: {  	_ = 	snop  }
0x90: {  	s2 =	sld [smem:$0x3FD0];
	(tm) =	ssettm $0x1  }
0x91: {  	s18 =	sld [smem:$0x3FFB];
	_ =	sdelay $0x3  }
0x92: {  	_ =	strace s18  }
0x93: {  	s3 =	sld [smem:$0x3FFC];
	_ =	sdelay $0x3  }
0x94: {  	_ =	strace s3  }
0x95: {  	s3 =	sld [smem:$0x3FFD];
	_ =	sdelay $0x3  }
0x96: {  	_ =	strace s3  }
0x97: {  	_ =	strace $0x8FFFFFFF  }
0x98: {  	s19 =	sld [smem:$0x3FDB];
	_ =	sdelay $0x1  }
0x99: {  	s4 =	simm.s32 $_scs_section_size  }
0x9a: {  	s5 =	simm.s32 $_size__tile_overlayer_lowered;
	s6 =	simm.s32 $_tile_overlayer_lowered  }
0x9b: {  	s22 =	simm.s32 $0x1BFF;
	s21 =	sshll.u32 s6, $0x1;
	s3 =	sadd.s32 s4, s19  }
0x9c: {  	s7 =	simm.s32 $0x0;
	s20 =	sshll.u32 s5, $0x1;
	s5 =	sadd.s32 s21, s3  }
0x9d: {  	[timem:s7], [sflag:s22] =	dma.local [hbm:s5], s20  }
0x9e: {  	_ =	swait.ge [sflag:s22], s20  }
0x9f: {  	s4 =	ssub.s32 $0x0, s20;
	[sflag:s22] =	ssyncset.done $0x0  }
0xa0: {  	[sflag:s22] =	ssyncadd.s32 s4;
	_ =	sdelay $0x1  }
0xa1: {  	s23 =	simm.s32 $0x1B8B  }
0xa2: {  	_ =	swait.ge [sflag:s23], $0x1  }
0xa3: {  	[sflag:s23] =	ssyncset.done $0x0  }
0xa4: {  	s25 =	simm.s32 $0x1B8E;
	s24 =	sld [smem:$0x3FFE];
	[sflag:s23] =	ssyncadd.s32 $0xFFFFFFFF  }
0xa5: {  	s26 =	simm.s32 $execute0_lowered;
	[smem:$0x3FD2] =	sst s25  }
0xa6: {  	s5 =	sshll.u32 s26, $0x1;
	_ =	strace $0x80000046;
	[dreg:$0x1] =	wrdreg $0xFFFFFFFF  }
0xa7: {  	s28 =	simm.s32 $_size_execute0_lowered;
	s3 =	sadd.s32 s3, s5;
	[dreg:$0x0] =	wrdreg $0x0  }
0xa8: {  	s5 =	sshll.u32 s28, $0x1;
	[dreg:$0x2] =	wrdreg s3  }
0xa9: {  	[dreg:$0x3] =	wrdreg s5  }
0xaa: {  	[dreg:$0x4] =	wrdreg $0xC0  }
0xab: {  	_ =	task [dreg:s7], $0x5FFFF  }
0xac: {  	[dreg:$0x1] =	wrdreg $0xFFFFFFFF  }
0xad: {  	[dreg:$0x0] =	wrdreg $0x60  }
0xae: {  	[dreg:$0x2] =	wrdreg s24  }
0xaf: {  	[dreg:$0x3] =	wrdreg s2  }
0xb0: {  	[dreg:$0x4] =	wrdreg $0x93000  }
0xb1: {  	[dreg:$0x5] =	wrdreg $0x1CF000  }
0xb2: {  	[dreg:$0x6] =	wrdreg $0x9  }
0xb3: {  	_ =	task.clear_ibuf [dreg:s7], $0x7FFFF;
	_ =	strace $0x90000046  }
0xb4: {  	s29 =	simm.s32 $0x9;
	_ =	strace $0x80000048  }
0xb5: {  	_ =	swait.ge [sflag:s29], $0x1  }
0xb6: {  	[sflag:s29] =	ssyncadd.s32 $0xFFFFFFFF  }
0xb7: {  	_ =	strace $0x90000048  }
0xb8: {  	_ =	sfence  }
0xb9: {  	s30 =	sld [smem:$0x0];
	_ =	sdelay $0x2  }
0xba: {  	s31 =	sshll.u32 s1, $0xD;
	s1 =	sshrl.u32 s1, $0x2  }
0xbb: {  	s3 =	sand.u32 $0x4000, s31;
	s1 =	sadd.s32 s1, s30  }
0xbc: {  	s0 =	sor.u32 s3, s0;
	s1 =	sshll.u32 s1, $0x11  }
0xbd: {  	s0 =	sor.u32 s1, s0  }
0xbe: {  	s0 =	sadd.s32 $0x8F2B, s0  }
0xbf: {  	[sflag:s0] =	ssyncadd.remote.s32 $0x1  }
0xc0: {  	_ =	sfence.sel $0xFFFF  }
0xc1: {  	[dreg:$0x0] =	wrdreg $0xFFFFFFFF;
	(pc) =	sbr.abs _section_cstart, $3  }
0xc2: {  	[dreg:$0x1] =	wrdreg $0xFFFFFFFF  }
0xc3: {  	_ =	task.clear_ibuf [dreg:s7], $0x2FFFF;
	_ =	strace $0x9FFFFFFF  }
0xc4: {  	(tm) =	ssettm $0x7FFFFFFF  }
0xc5: {  	_ =	shalt  }
tec
execute0_lowered:
.L_overlay_start_1:
0x0: {  	(tag) =	ssettag $0x1  }
0x1: {  	s9 =	rddreg [dreg:$0x0]  }
0x2: {  	s11 =	rddreg [dreg:$0x1]  }
0x3: {  	s0 =	srdreg.scid;
	s2 =	rddreg [dreg:$0x2]  }
0x4: {  	s3 =	rddreg [dreg:$0x3];
	s4 =	simm.s32 $0x0;
	s20 =	simm.s32 $0x9000  }
0x5: {  	s21 =	simm.s32 $0x80;
	s22 =	simm.s32 $0x5000;
	s23 =	simm.s32 $0x1  }
0x6: {  	s24 =	simm.s32 $0x0;
	s10 =	sand.u32 $0x1, s0;
	s0 =	stileid.u32  }
0x7: {  	[smem:$0x7FF] =	sst s4;
	s6 =	sadd.s32 $0x35600, s9;
	s13 =	smul.u32 $0x278, s0  }
0x8: {  	s7 =	sadd.s32 $0x35400, s9;
	s8 =	sadd.s32 $0x35200, s9;
	s14 =	smul.u32 $0x2780, s10  }
0x9: {  	s1 =	sshll.u32 s10, $0x4;
	s17 =	smul.u32 $0x4F000, s0;
	s31 =	ssub.s32 $0x2, s10  }
0xa: {  	s18 =	sshll.u32 s0, $0x6;
	s5 =	sor.u32 s0, s1;
	s1 =	rddreg [dreg:$0x4]  }
0xb: {  	_ =	strace $0x80000047;
	s10 =	sshrl.u32 s31, $0x1;
	s12 =	smul.u32 $0x500, s5  }
0xc: {  	s5 =	sadd.s32 $0xE000, s9;
	s14 =	sadd.s32 s13, s14;
	s17 =	sshrl.u32 s17, $0x2  }
0xd: {  	s19 =	ssub.s32 s31, s10;
	s10 =	sadd.s32 s13, s3;
	s16 =	sshll.u32 s14, $0x4  }
0xe: {  	s14 =	sshrl.u32 s14, $0x3;
	s17 =	sadd.s32 s17, s2;
	s15 =	sadd.s32 s12, s9  }
0xf: {  	s16 =	sadd.s32 s16, s9;
	s14 =	sadd.s32 s14, s9;
	s9 =	sor.u32 $0x1C02, s18  }
0x10: {  	s11 =	sadd.s32 s11, s12;
	s18 =	simm.s32 $0x9080;
	s12 =	sadd.s32 $0x4000, s15  }
0x11: {  	s13 =	sadd.s32 $0x37E00, s16;
	s14 =	sadd.s32 $0x86E00, s14;
	s15 =	smax.u32 s19, $0x1  }
0x12: {  	s16 =	sshrl.u32 s17, $0x3;
	s17 =	simm.s32 $0x2;
	s19 =	simm.s32 $0x2800  }
.LBB2_1:
0x13: {  	[spmem:s16], [sflag:s9] =	dma.local [hbm:s6], $0x2780  }
0x14: {  	_ =	swait.ge [sflag:s17], $0x2780  }
0x15: {  	[sflag:s17] =	ssyncset.done $0x0  }
0x16: {  	[sflag:s17] =	ssyncadd.s32 $0xFFFFD880  }
0x17: {  	[tilespmem:s18], [sflag:$0x2] =	stream.linear.gather [hbm4b:s7+s4], $0x280, $0x38;
	[tilespmem:$0x1D178] =	vst v63  }
0x18: {  	_ =	swait.ge [sflag:s17], $0x280  }
0x19: {  	[sflag:s17] =	ssyncset.done $0x0  }
0x1a: {  	[sflag:s17] =	ssyncadd.s32 $0xFFFFFD80  }
0x1b: {  	[spmem:s10] =	stream.linear.scatter [tilespmem:s18], [sflag:$0x2], $0x278, $0x38;
	[tilespmem:$0x1D178] =	vst v63  }
0x1c: {  	_ =	swait.ge [sflag:s17], $0x278  }
0x1d: {  	[sflag:s17] =	ssyncset.done $0x0  }
0x1e: {  	[sflag:s17] =	ssyncadd.s32 $0xFFFFFD88  }
0x1f: {  	[tilespmem:s4], [sflag:$0x2] =	stream.linear.gather [hbm4b:s11+s4], $0x2780, $0x38;
	[tilespmem:$0x1D178] =	vst v63  }
0x20: {  	_ =	swait.ge [sflag:s17], $0x2780  }
0x21: {  	[sflag:s17] =	ssyncset.done $0x0  }
0x22: {  	[sflag:s17] =	ssyncadd.s32 $0xFFFFD880  }
0x23: {  	[tilespmem:s19], [sflag:$0x2] =	stream.linear.gather [hbm4b:s12+s4], $0x2780, $0x38;
	[tilespmem:$0x1D178] =	vst v63  }
0x24: {  	_ =	swait.ge [sflag:s17], $0x2780  }
0x25: {  	[sflag:s17] =	ssyncset.done $0x0  }
0x26: {  	[sflag:s17] =	ssyncadd.s32 $0xFFFFD880  }
0x27: {  	[tilespmem:s20], [sflag:$0x2] =	stream.linear.gather [hbm4b:s8+s4], $0x80, $0x38;
	[tilespmem:$0x1D178] =	vst v63  }
0x28: {  	_ =	swait.ge [sflag:s17], $0x80  }
0x29: {  	[sflag:s17] =	ssyncset.done $0x0  }
0x2a: {  	[sflag:s17] =	ssyncadd.s32 $0xFFFFFF80  }
0x2b: {  	s25 =	simm.s32 $0x0;
	[bflag:$0x0] =	sbarrier.arrive $0xFFFF  }
0x2c: {  	[tilespmem:s22], [sflag:$0x1] =	stream.indirect.gather [hbm4b:s5+s21], $0x80, s25, s21, $0xb8;
	[tilespmem:$0x1D178] =	vst v63  }
0x2d: {  	_ =	swait.ge [sflag:s23], $0x4000  }
0x2e: {  	[sflag:s23] =	ssyncset.done $0x0  }
0x2f: {  	s31 =	simm.s32 $0x2800;
	[sflag:s23] =	ssyncadd.s32 $0xFFFFC000  }
0x30: {  	[spmem:s2] =	stream.indirect.scatter.add.f32 [tilespmem:s22], [sflag:$0x2], $0x80, s31, s21, $0xb8;
	[tilespmem:$0x1D178] =	vst v63  }
0x31: {  	_ =	swait.ge [sflag:s17], $0x4000  }
0x32: {  	[sflag:s17] =	ssyncset.done $0x0  }
0x33: {  	[sflag:s17] =	ssyncadd.s32 $0xFFFFC000  }
0x34: {  	[spmem:s3] =	stream.indirect.scatter.add.f32 [tilespmem:s20], [sflag:$0x2], $0x1, s31, s21, $0xb8;
	[tilespmem:$0x1D178] =	vst v63  }
0x35: {  	_ =	swait.ge [sflag:s17], $0x80  }
0x36: {  	s26 =	simm.s32 $0x400;
	s25 =	simm.s32 $0x200;
	[sflag:s17] =	ssyncset.done $0x0  }
.LBB2_2:
0x37: {  	s28 =	sshra.s32 s25, $0x2  }
0x38: {  	[sflag:s17] =	ssyncadd.s32 $0xFFFFFF80;
	s25 =	smov.u32 s26;
	s29 =	sadd.s32 $0x200, s26  }
0x39: {  	[tilespmem:s22], [sflag:$0x1] =	stream.indirect.gather [hbm4b:s5+s21], $0x80, s28, s21, $0xb8;
	[tilespmem:$0x1D178] =	vst v63  }
0x3a: {  	p0 =	sne.s32 s26, $0x9C00;
	_ =	swait.ge [sflag:s23], $0x4000  }
0x3b: {  	[sflag:s23] =	ssyncset.done $0x0  }
0x3c: {  	s26 =	sadd.s32 $0x2800, s28;
	[sflag:s23] =	ssyncadd.s32 $0xFFFFC000  }
0x3d: {  	[spmem:s2] =	stream.indirect.scatter.add.f32 [tilespmem:s22], [sflag:$0x2], $0x80, s26, s21, $0xb8;
	[tilespmem:$0x1D178] =	vst v63  }
0x3e: {  	_ =	swait.ge [sflag:s17], $0x4000  }
.Ltmp0:
0x3f: {  	[sflag:s17] =	ssyncset.done $0x0;
	(pc) =	sbr.rel @p0 .LBB2_2-.Ltmp0, $4  }
0x40: {  	[sflag:s17] =	ssyncadd.s32 $0xFFFFC000  }
0x41: {  	[spmem:s3] =	stream.indirect.scatter.add.f32 [tilespmem:s20], [sflag:$0x2], $0x1, s26, s21, $0xb8;
	[tilespmem:$0x1D178] =	vst v63  }
0x42: {  	_ =	swait.ge [sflag:s17], $0x80  }
0x43: {  	s26 =	smov.u32 s29;
	[sflag:s17] =	ssyncset.done $0x0  }
0x44: {  	s25 =	sshra.s32 s25, $0x2;
	[sflag:s17] =	ssyncadd.s32 $0xFFFFFF80  }
0x45: {  	[tilespmem:s22], [sflag:$0x1] =	stream.indirect.gather [hbm4b:s5+s21], $0x80, s25, s21, $0xb8;
	[tilespmem:$0x1D178] =	vst v63  }
0x46: {  	_ =	swait.ge [sflag:s23], $0x4000  }
0x47: {  	[sflag:s23] =	ssyncset.done $0x0  }
0x48: {  	s25 =	sadd.s32 $0x2800, s25;
	[sflag:s23] =	ssyncadd.s32 $0xFFFFC000  }
0x49: {  	[spmem:s2] =	stream.indirect.scatter.add.f32 [tilespmem:s22], [sflag:$0x2], $0x80, s25, s21, $0xb8;
	[tilespmem:$0x1D178] =	vst v63  }
0x4a: {  	_ =	swait.ge [sflag:s17], $0x4000  }
0x4b: {  	[sflag:s17] =	ssyncset.done $0x0  }
0x4c: {  	[sflag:s17] =	ssyncadd.s32 $0xFFFFC000  }
0x4d: {  	[spmem:s3] =	stream.indirect.scatter.add.f32 [tilespmem:s20], [sflag:$0x2], $0x1, s25, s21, $0xb8;
	[tilespmem:$0x1D178] =	vst v63  }
0x4e: {  	_ =	swait.ge [sflag:s17], $0x80  }
0x4f: {  	[sflag:s17] =	ssyncset.done $0x0  }
0x50: {  	[sflag:s17] =	ssyncadd.s32 $0xFFFFFF80  }
0x51: {  	[bflag:$0x0] =	sbarrier.arrive $0xFFFF  }
0x52: {  	[hbm:s13], [sflag:s9] =	dma.local [spmem:s16], $0x2780  }
0x53: {  	_ =	swait.ge [sflag:s17], $0x2780  }
0x54: {  	[sflag:s17] =	ssyncset.done $0x0  }
0x55: {  	[sflag:s17] =	ssyncadd.s32 $0xFFFFD880  }
0x56: {  	[tilespmem:s18], [sflag:$0x2] =	stream.linear.gather [spmem:s10], $0x278, $0x38;
	[tilespmem:$0x1D178] =	vst v63  }
0x57: {  	s24 =	sadd.s32 $0x1, s24;
	_ =	swait.ge [sflag:s17], $0x278  }
0x58: {  	p0 =	sne.s32 s24, s15;
	[sflag:s17] =	ssyncset.done $0x0  }
.Ltmp1:
0x59: {  	[sflag:s17] =	ssyncadd.s32 $0xFFFFFD88;
	(pc) =	sbr.rel @p0 .LBB2_1-.Ltmp1, $4  }
0x5a: {  	[hbm4b:s14+s4] =	stream.linear.scatter [tilespmem:s18], [sflag:$0x2], $0x278, $0x38;
	[tilespmem:$0x1D178] =	vst v63  }
0x5b: {  	_ =	swait.ge [sflag:s17], $0x278  }
0x5c: {  	[sflag:s17] =	ssyncset.done $0x0  }
0x5d: {  	[sflag:s17] =	ssyncadd.s32 $0xFFFFFD88  }
0x5e: {  	_ =	sfence.sel $0x180000  }
0x5f: {  	[bflag:$0x0] =	sbarrier.arrive $0xFFFF  }
0x60: {  	p0 =	sne.s32 s0, $0x0;
	_ =	strace $0x90000047  }
0x61: {  	s0 =	sadd.s32 @!p0 $0x100000, s1;
	[bflag:$0x2] =	sbarrier.arrive $0xFFFF  }
0x62: {  	[sflag:s0] =	ssyncadd.tile.s32 @!p0 $0x1;
	_ =	shalt  }
.Lfunc_end2:
_tile_overlayer_lowered:
.L_overlay_start_2:
0x63: {  	(tag) =	ssettag $0x2  }
0x64: {  	s0 =	rddreg [dreg:$0x0];
	s2 =	stileid.u32  }
0x65: {  	s1 =	rddreg [dreg:$0x1];
	p0 =	sne.s32 s2, $0x0  }
0x66: {  	s3 =	rddreg [dreg:$0x2];
	[bflag:$0x3] =	sbarrier.arrive $0xFFFF;
	s2 =	simm.s32 @!p0 $0x1C02  }
0x67: {  	[timem:s3], [sflag:s2] =	dma.local @!p0 [hbm:s0], s1  }
0x68: {  	s0 =	simm.s32 @!p0 $0x2  }
0x69: {  	_ =	swait.ge @!p0 [sflag:s0], s1  }
0x6a: {  	s1 =	ssub.s32 @!p0 $0x0, s1;
	[sflag:s0] =	ssyncset.done @!p0 $0x0  }
0x6b: {  	[sflag:s0] =	ssyncadd.s32 @!p0 s1  }
0x6c: {  	[bflag:$0x3] =	sbarrier.arrive $0xFFFF  }
0x6d: {  	_ =	shalt  }

// kernel: kernel.13.cloned.1.call-start
scs
__scs_entry_jumppad:
0x0: {  	(pc) =	sbr.rel $0x88, $3  }
0x1: {  	(tag) =	ssettag $0x0;
	lr =	simm.s32 $0x1  }
0x2: {  	[smem:$0x3F99] =	sst lr;
	_ =	strace $0xD0000000  }
0x3: {  	_ = 	snop  }
0x4: {  	_ = 	snop  }
0x5: {  	_ = 	snop  }
0x6: {  	_ = 	snop  }
0x7: {  	_ = 	snop  }
__scs_overlays_trampoline_lowered:
0x8: {  	[smem:$0x3FA8] =	sst s0  }
0x9: {  	[smem:$0x3FA9] =	sst s1  }
0xa: {  	[smem:$0x3FAA] =	sst s2  }
0xb: {  	[smem:$0x3FAB] =	sst s3  }
0xc: {  	[smem:$0x3FAC] =	sst s4  }
0xd: {  	[smem:$0x3FAD] =	sst s5  }
0xe: {  	[smem:$0x3FAE] =	sst s6  }
0xf: {  	[smem:$0x3FAF] =	sst s7  }
0x10: {  	[smem:$0x3FB0] =	sst s8  }
0x11: {  	[smem:$0x3FB1] =	sst s9;
	s0 =	simm.s32 @!p0 $0x0  }
0x12: {  	s1 =	sld [smem:$0x3F97];
	s0 =	simm.s32 @p0 $0x1  }
0x13: {  	[smem:$0x3FB2] =	sst s0;
	s0 =	simm.s32 @!p1 $0x0  }
0x14: {  	s2 =	sld [smem:$0x3F96];
	s0 =	simm.s32 @p1 $0x1  }
0x15: {  	[smem:$0x3FB3] =	sst s0;
	s0 =	simm.s32 @!p2 $0x0  }
0x16: {  	s3 =	sld [smem:$0x3FDB];
	s0 =	simm.s32 @p2 $0x1  }
0x17: {  	s4 =	simm.s32 $0x1BF5;
	[smem:$0x3FB5] =	sst s0  }
0x18: {  	s0 =	sld [smem:$0x3F98];
	_ =	swait.ge [sflag:s4], $0x0  }
0x19: {  	s7 =	sld [smem:$0x3F99]  }
0x1a: {  	s8 =	sadd.s32 $0xFFFFE003, lr  }
0x1b: {  	s9 =	sadd.s32 $0xFFFFFEF7, lr;
	s5 =	simm.s32 $0xFFFFFFFF;
	p2 =	slt.u32 s8, $0xFFFFF086  }
0x1c: {  	p1 =	slt.u32 s9, $0xF7A;
	s5 =	simm.s32 @!p2 $0x0  }
0x1d: {  	s5 =	simm.s32 @p1 $0x1;
	p0 =	seq.s32 s7, s2  }
0x1e: {  	s7 =	smul.u32 @!p0 $0xF7A, s2;
	p2 =	seq.s32 @!p0 s5, $0x0  }
0x1f: {  	s9 =	smul.u32 $0xF7A, s1;
	s8 =	simm.s32 @!p0 $0x1BF5;
	p2 =	por !p2, p0  }
0x20: {  	[sflag:s8] =	ssyncset.s32 @!p0 $0xFFFFF086;
	s6 =	sadd.s32 @!p0 s3, s7;
	s7 =	simm.s32 @!p0 $0x108  }
0x21: {  	s3 =	sadd.s32 s3, s9;
	s6 =	sadd.s32 @!p0 $0x88, s6;
	s7 =	simm.s32 @p2 $0x1082  }
0x22: {  	[simem:s7], [sflag:s8] =	dma.local @!p0 [hbm:s6], $0xF7A  }
0x23: {  	s9 =	sor.u32 $0xD0000000, s2;
	s6 =	simm.s32 $0x108;
	_ =	swait.ge @!p0 [sflag:s8], $0x0  }
0x24: {  	s3 =	sadd.s32 $0x88, s3;
	s6 =	simm.s32 @!p1 $0x1082;
	[sflag:s4] =	ssyncset.s32 $0xFFFFF086  }
0x25: {  	[simem:s6], [sflag:s4] =	dma.local [hbm:s3], $0xF7A  }
0x26: {  	[smem:$0x3F99] =	sst s1;
	(tag) =	ssettag s2;
	_ =	strace s9  }
0x27: {  	s1 =	sld [smem:$0x3FA9]  }
0x28: {  	s2 =	sld [smem:$0x3FAA]  }
0x29: {  	s4 =	sld [smem:$0x3FAC]  }
0x2a: {  	p0 =	seq.s32 s5, $0x0;
	s5 =	sld [smem:$0x3FAD]  }
0x2b: {  	s6 =	sld [smem:$0x3FAE]  }
0x2c: {  	s7 =	sld [smem:$0x3FAF]  }
0x2d: {  	s3 =	simm.s32 $0x108;
	s8 =	sld [smem:$0x3FB0]  }
0x2e: {  	s3 =	simm.s32 @!p0 $0x1082;
	s9 =	sld [smem:$0x3FB1]  }
0x2f: {  	lr =	sadd.s32 s0, s3;
	s0 =	sld [smem:$0x3FA8]  }
0x30: {  	s3 =	sld [smem:$0x3FAB]  }
0x31: {  	[smem:$0x3FB4] =	sst s10  }
0x32: {  	s10 =	sld [smem:$0x3FB2];
	_ =	sdelay $0x3  }
0x33: {  	p0 =	seq.s32 s10, $0x1;
	s10 =	sld [smem:$0x3FB4];
	_ =	sdelay $0x3  }
0x34: {  	[smem:$0x3FB4] =	sst s10  }
0x35: {  	s10 =	sld [smem:$0x3FB3];
	_ =	sdelay $0x3  }
0x36: {  	p1 =	seq.s32 s10, $0x1;
	s10 =	sld [smem:$0x3FB4];
	_ =	sdelay $0x3  }
0x37: {  	[smem:$0x3FB4] =	sst s10  }
0x38: {  	s10 =	sld [smem:$0x3FB5]  }
0x39: {  	_ = 	snop;
	(pc) =	sbr.ind lr, $3  }
0x3a: {  	_ = 	snop  }
0x3b: {  	_ = 	snop  }
0x3c: {  	p2 =	seq.s32 s10, $0x1;
	s10 =	sld [smem:$0x3FB4]  }
0x3d: {  	_ =	shalt  }
0x3e: {  	_ =	shalt  }
0x3f: {  	_ =	shalt  }
0x40: {  	_ =	shalt  }
0x41: {  	_ =	shalt  }
0x42: {  	_ =	shalt  }
0x43: {  	_ =	shalt  }
0x44: {  	_ =	shalt  }
0x45: {  	_ =	shalt  }
0x46: {  	_ =	shalt  }
0x47: {  	_ =	shalt  }
0x48: {  	_ =	shalt  }
0x49: {  	_ =	shalt  }
0x4a: {  	_ =	shalt  }
0x4b: {  	_ =	shalt  }
0x4c: {  	_ =	shalt  }
0x4d: {  	_ =	shalt  }
0x4e: {  	_ =	shalt  }
0x4f: {  	_ =	shalt  }
0x50: {  	_ =	shalt  }
0x51: {  	_ =	shalt  }
0x52: {  	_ =	shalt  }
0x53: {  	_ =	shalt  }
0x54: {  	_ =	shalt  }
0x55: {  	_ =	shalt  }
0x56: {  	_ =	shalt  }
0x57: {  	_ =	shalt  }
0x58: {  	_ =	shalt  }
0x59: {  	_ =	shalt  }
0x5a: {  	_ =	shalt  }
0x5b: {  	_ =	shalt  }
0x5c: {  	_ =	shalt  }
0x5d: {  	_ =	shalt  }
0x5e: {  	_ =	shalt  }
0x5f: {  	_ =	shalt  }
0x60: {  	_ =	shalt  }
0x61: {  	_ =	shalt  }
0x62: {  	_ =	shalt  }
0x63: {  	_ =	shalt  }
0x64: {  	_ =	shalt  }
0x65: {  	_ =	shalt  }
0x66: {  	_ =	shalt  }
0x67: {  	_ =	shalt  }
0x68: {  	_ =	shalt  }
0x69: {  	_ =	shalt  }
0x6a: {  	_ =	shalt  }
0x6b: {  	_ =	shalt  }
0x6c: {  	_ =	shalt  }
0x6d: {  	_ =	shalt  }
0x6e: {  	_ =	shalt  }
0x6f: {  	_ =	shalt  }
0x70: {  	_ =	shalt  }
0x71: {  	_ =	shalt  }
0x72: {  	_ =	shalt  }
0x73: {  	_ =	shalt  }
0x74: {  	_ =	shalt  }
0x75: {  	_ =	shalt  }
0x76: {  	_ =	shalt  }
0x77: {  	_ =	shalt  }
0x78: {  	_ =	shalt  }
0x79: {  	_ =	shalt  }
0x7a: {  	_ =	shalt  }
0x7b: {  	_ =	shalt  }
0x7c: {  	_ =	shalt  }
0x7d: {  	_ =	shalt  }
0x7e: {  	_ =	shalt  }
0x7f: {  	_ =	shalt  }
0x80: {  	_ =	shalt  }
0x81: {  	_ =	shalt  }
0x82: {  	_ =	shalt  }
0x83: {  	_ =	shalt  }
0x84: {  	_ =	shalt  }
0x85: {  	_ =	shalt  }
0x86: {  	_ =	shalt  }
0x87: {  	_ =	shalt  }
.Lfunc_end0:
.L_simem_size_0:
called_computation.1_lowered:
.L_overlay_start_0:
0x88: {  	s2 =	sld [smem:$0x3FD9]  }
0x89: {  	s3 =	sld [smem:$0x3FFE];
	_ =	sdelay $0x1  }
0x8a: {  	s1 =	srdreg.scid  }
0x8b: {  	s0 =	sand.u32 $0x1, s1  }
0x8c: {  	s17 =	sshll.u32 s0, $0xA;
	s2 =	sadd.s32 s3, s2  }
0x8d: {  	s2 =	sadd.s32 s2, s17  }
0x8e: {  	[smem:$0x3FC0] =	sst s2  }
0x8f: {  	_ = 	snop  }
0x90: {  	s2 =	sld [smem:$0x3FD0];
	(tm) =	ssettm $0x1  }
0x91: {  	s18 =	sld [smem:$0x3FFB];
	_ =	sdelay $0x3  }
0x92: {  	_ =	strace s18  }
0x93: {  	s3 =	sld [smem:$0x3FFC];
	_ =	sdelay $0x3  }
0x94: {  	_ =	strace s3  }
0x95: {  	s3 =	sld [smem:$0x3FFD];
	_ =	sdelay $0x3  }
0x96: {  	_ =	strace s3  }
0x97: {  	_ =	strace $0x8FFFFFFF  }
0x98: {  	s19 =	sld [smem:$0x3FDB];
	_ =	sdelay $0x1  }
0x99: {  	s4 =	simm.s32 $_scs_section_size  }
0x9a: {  	s5 =	simm.s32 $_size__tile_overlayer_lowered;
	s6 =	simm.s32 $_tile_overlayer_lowered  }
0x9b: {  	s22 =	simm.s32 $0x1BFF;
	s21 =	sshll.u32 s6, $0x1;
	s3 =	sadd.s32 s4, s19  }
0x9c: {  	s7 =	simm.s32 $0x0;
	s20 =	sshll.u32 s5, $0x1;
	s5 =	sadd.s32 s21, s3  }
0x9d: {  	[timem:s7], [sflag:s22] =	dma.local [hbm:s5], s20  }
0x9e: {  	_ =	swait.ge [sflag:s22], s20  }
0x9f: {  	s4 =	ssub.s32 $0x0, s20;
	[sflag:s22] =	ssyncset.done $0x0  }
0xa0: {  	[sflag:s22] =	ssyncadd.s32 s4;
	_ =	sdelay $0x1  }
0xa1: {  	s23 =	simm.s32 $0x1B8B  }
0xa2: {  	_ =	swait.ge [sflag:s23], $0x1  }
0xa3: {  	[sflag:s23] =	ssyncset.done $0x0  }
0xa4: {  	s25 =	simm.s32 $0x1B8E;
	s24 =	sld [smem:$0x3FFE];
	[sflag:s23] =	ssyncadd.s32 $0xFFFFFFFF  }
0xa5: {  	s26 =	simm.s32 $execute0_lowered;
	[smem:$0x3FD2] =	sst s25  }
0xa6: {  	s5 =	sshll.u32 s26, $0x1;
	_ =	strace $0x80000049;
	[dreg:$0x1] =	wrdreg $0xFFFFFFFF  }
0xa7: {  	s28 =	simm.s32 $_size_execute0_lowered;
	s3 =	sadd.s32 s3, s5;
	[dreg:$0x0] =	wrdreg $0x0  }
0xa8: {  	s5 =	sshll.u32 s28, $0x1;
	[dreg:$0x2] =	wrdreg s3  }
0xa9: {  	[dreg:$0x3] =	wrdreg s5  }
0xaa: {  	[dreg:$0x4] =	wrdreg $0xC0  }
0xab: {  	_ =	task [dreg:s7], $0x5FFFF  }
0xac: {  	[dreg:$0x1] =	wrdreg $0xFFFFFFFF  }
0xad: {  	[dreg:$0x0] =	wrdreg $0x60  }
0xae: {  	[dreg:$0x2] =	wrdreg s24  }
0xaf: {  	[dreg:$0x3] =	wrdreg s2  }
0xb0: {  	[dreg:$0x4] =	wrdreg $0x90000  }
0xb1: {  	[dreg:$0x5] =	wrdreg $0x9  }
0xb2: {  	_ =	task.clear_ibuf [dreg:s7], $0x6FFFF;
	_ =	strace $0x90000049  }
0xb3: {  	s29 =	simm.s32 $0x9;
	_ =	strace $0x8000004B  }
0xb4: {  	_ =	swait.ge [sflag:s29], $0x1  }
0xb5: {  	[sflag:s29] =	ssyncadd.s32 $0xFFFFFFFF  }
0xb6: {  	_ =	strace $0x9000004B  }
0xb7: {  	_ =	sfence  }
0xb8: {  	s30 =	sld [smem:$0x0];
	_ =	sdelay $0x2  }
0xb9: {  	s31 =	sshll.u32 s1, $0xD;
	s1 =	sshrl.u32 s1, $0x2  }
0xba: {  	s3 =	sand.u32 $0x4000, s31;
	s1 =	sadd.s32 s1, s30  }
0xbb: {  	s0 =	sor.u32 s3, s0;
	s1 =	sshll.u32 s1, $0x11  }
0xbc: {  	s0 =	sor.u32 s1, s0  }
0xbd: {  	s0 =	sadd.s32 $0x8F2B, s0  }
0xbe: {  	[sflag:s0] =	ssyncadd.remote.s32 $0x1  }
0xbf: {  	_ =	sfence.sel $0xFFFF  }
0xc0: {  	[dreg:$0x0] =	wrdreg $0xFFFFFFFF;
	(pc) =	sbr.abs _section_cstart, $3  }
0xc1: {  	[dreg:$0x1] =	wrdreg $0xFFFFFFFF  }
0xc2: {  	_ =	task.clear_ibuf [dreg:s7], $0x2FFFF;
	_ =	strace $0x9FFFFFFF  }
0xc3: {  	(tm) =	ssettm $0x7FFFFFFF  }
tec
execute0_lowered:
.L_overlay_start_1:
0x0: {  	(tag) =	ssettag $0x1  }
0x1: {  	s6 =	rddreg [dreg:$0x0]  }
0x2: {  	s0 =	srdreg.scid;
	s8 =	rddreg [dreg:$0x1]  }
0x3: {  	s2 =	rddreg [dreg:$0x2];
	s3 =	simm.s32 $0x0;
	s14 =	simm.s32 $0x80  }
0x4: {  	s15 =	simm.s32 $0x5000;
	s7 =	sand.u32 $0x1, s0;
	s0 =	stileid.u32  }
0x5: {  	s16 =	simm.s32 $0x1;
	s17 =	simm.s32 $0x0;
	s10 =	smul.u32 $0x2780, s0  }
0x6: {  	[smem:$0x7FF] =	sst s3;
	s5 =	sadd.s32 $0x35600, s6;
	s11 =	smul.u32 $0x27800, s7  }
0x7: {  	s1 =	sshll.u32 s7, $0x4;
	s13 =	smul.u32 $0x4F000, s0;
	s7 =	ssub.s32 $0x2, s7  }
0x8: {  	s31 =	sshll.u32 s0, $0x6;
	s4 =	sor.u32 s0, s1;
	s1 =	rddreg [dreg:$0x3]  }
0x9: {  	_ =	strace $0x8000004A;
	s28 =	sshrl.u32 s7, $0x1;
	s9 =	smul.u32 $0x500, s4  }
0xa: {  	s4 =	sadd.s32 $0xE000, s6;
	s10 =	sadd.s32 s10, s11;
	s29 =	sshrl.u32 s13, $0x2  }
0xb: {  	s30 =	ssub.s32 s7, s28;
	s13 =	simm.s32 $0x2800;
	s10 =	sadd.s32 s10, s6  }
0xc: {  	s11 =	sadd.s32 s29, s2;
	s12 =	sadd.s32 s9, s6;
	s6 =	sor.u32 $0x1C02, s31  }
0xd: {  	s7 =	sadd.s32 s8, s9;
	s9 =	sadd.s32 $0x86200, s10;
	s10 =	smax.u32 s30, $0x1  }
0xe: {  	s11 =	sshrl.u32 s11, $0x3;
	s8 =	sadd.s32 $0x4000, s12;
	s12 =	simm.s32 $0x2  }
.LBB2_1:
0xf: {  	[spmem:s11], [sflag:s6] =	dma.local [hbm:s5], $0x2780  }
0x10: {  	_ =	swait.ge [sflag:s12], $0x2780  }
0x11: {  	[sflag:s12] =	ssyncset.done $0x0  }
0x12: {  	[sflag:s12] =	ssyncadd.s32 $0xFFFFD880  }
0x13: {  	[tilespmem:s3], [sflag:$0x2] =	stream.linear.gather [hbm4b:s7+s3], $0x2780, $0x38;
	[tilespmem:$0x1CC00] =	vst v63  }
0x14: {  	_ =	swait.ge [sflag:s12], $0x2780  }
0x15: {  	[sflag:s12] =	ssyncset.done $0x0  }
0x16: {  	[sflag:s12] =	ssyncadd.s32 $0xFFFFD880  }
0x17: {  	[tilespmem:s13], [sflag:$0x2] =	stream.linear.gather [hbm4b:s8+s3], $0x2780, $0x38;
	[tilespmem:$0x1CC00] =	vst v63  }
0x18: {  	_ =	swait.ge [sflag:s12], $0x2780  }
0x19: {  	[sflag:s12] =	ssyncset.done $0x0  }
0x1a: {  	[sflag:s12] =	ssyncadd.s32 $0xFFFFD880  }
0x1b: {  	s18 =	simm.s32 $0x0;
	[bflag:$0x0] =	sbarrier.arrive $0xFFFF  }
0x1c: {  	[tilespmem:s15], [sflag:$0x1] =	stream.indirect.gather [hbm4b:s4+s14], $0x80, s18, s14, $0xb8;
	[tilespmem:$0x1CC00] =	vst v63  }
0x1d: {  	_ =	swait.ge [sflag:s16], $0x4000  }
0x1e: {  	[sflag:s16] =	ssyncset.done $0x0  }
0x1f: {  	s31 =	simm.s32 $0x2800;
	[sflag:s16] =	ssyncadd.s32 $0xFFFFC000  }
0x20: {  	[spmem:s2] =	stream.indirect.scatter.add.f32 [tilespmem:s15], [sflag:$0x2], $0x80, s31, s14, $0xb8;
	[tilespmem:$0x1CC00] =	vst v63  }
0x21: {  	_ =	swait.ge [sflag:s12], $0x4000  }
0x22: {  	s19 =	simm.s32 $0x400;
	s18 =	simm.s32 $0x200;
	[sflag:s12] =	ssyncset.done $0x0  }
.LBB2_2:
0x23: {  	s20 =	sshra.s32 s18, $0x2  }
0x24: {  	[sflag:s12] =	ssyncadd.s32 $0xFFFFC000;
	s18 =	smov.u32 s19;
	s21 =	sadd.s32 $0x200, s19  }
0x25: {  	[tilespmem:s15], [sflag:$0x1] =	stream.indirect.gather [hbm4b:s4+s14], $0x80, s20, s14, $0xb8;
	[tilespmem:$0x1CC00] =	vst v63  }
0x26: {  	p0 =	sne.s32 s19, $0x9C00;
	_ =	swait.ge [sflag:s16], $0x4000  }
.Ltmp0:
0x27: {  	[sflag:s16] =	ssyncset.done $0x0;
	(pc) =	sbr.rel @p0 .LBB2_2-.Ltmp0, $4  }
0x28: {  	s19 =	sadd.s32 $0x2800, s20;
	[sflag:s16] =	ssyncadd.s32 $0xFFFFC000  }
0x29: {  	[spmem:s2] =	stream.indirect.scatter.add.f32 [tilespmem:s15], [sflag:$0x2], $0x80, s19, s14, $0xb8;
	[tilespmem:$0x1CC00] =	vst v63  }
0x2a: {  	_ =	swait.ge [sflag:s12], $0x4000  }
0x2b: {  	s19 =	smov.u32 s21;
	[sflag:s12] =	ssyncset.done $0x0  }
0x2c: {  	s18 =	sshra.s32 s18, $0x2;
	[sflag:s12] =	ssyncadd.s32 $0xFFFFC000  }
0x2d: {  	[tilespmem:s15], [sflag:$0x1] =	stream.indirect.gather [hbm4b:s4+s14], $0x80, s18, s14, $0xb8;
	[tilespmem:$0x1CC00] =	vst v63  }
0x2e: {  	_ =	swait.ge [sflag:s16], $0x4000  }
0x2f: {  	[sflag:s16] =	ssyncset.done $0x0  }
0x30: {  	s18 =	sadd.s32 $0x2800, s18;
	[sflag:s16] =	ssyncadd.s32 $0xFFFFC000  }
0x31: {  	[spmem:s2] =	stream.indirect.scatter.add.f32 [tilespmem:s15], [sflag:$0x2], $0x80, s18, s14, $0xb8;
	[tilespmem:$0x1CC00] =	vst v63  }
0x32: {  	_ =	swait.ge [sflag:s12], $0x4000  }
0x33: {  	s17 =	sadd.s32 $0x1, s17;
	[sflag:s12] =	ssyncset.done $0x0  }
0x34: {  	p0 =	sne.s32 s17, s10;
	[sflag:s12] =	ssyncadd.s32 $0xFFFFC000  }
.Ltmp1:
0x35: {  	[bflag:$0x0] =	sbarrier.arrive $0xFFFF;
	(pc) =	sbr.rel @p0 .LBB2_1-.Ltmp1, $4  }
0x36: {  	[hbm:s9], [sflag:s6] =	dma.local [spmem:s11], $0x2780  }
0x37: {  	_ =	swait.ge [sflag:s12], $0x2780  }
0x38: {  	[sflag:s12] =	ssyncset.done $0x0  }
0x39: {  	[sflag:s12] =	ssyncadd.s32 $0xFFFFD880  }
0x3a: {  	_ =	sfence.sel $0x180000  }
0x3b: {  	[bflag:$0x0] =	sbarrier.arrive $0xFFFF  }
0x3c: {  	p0 =	sne.s32 s0, $0x0;
	_ =	strace $0x9000004A  }
0x3d: {  	s0 =	sadd.s32 @!p0 $0x100000, s1;
	[bflag:$0x2] =	sbarrier.arrive $0xFFFF  }
0x3e: {  	[sflag:s0] =	ssyncadd.tile.s32 @!p0 $0x1;
	_ =	shalt  }
.Lfunc_end2:
_tile_overlayer_lowered:
.L_overlay_start_2:
0x3f: {  	(tag) =	ssettag $0x2  }
0x40: {  	s0 =	rddreg [dreg:$0x0];
	s2 =	stileid.u32  }
0x41: {  	s1 =	rddreg [dreg:$0x1];
	p0 =	sne.s32 s2, $0x0  }
0x42: {  	s3 =	rddreg [dreg:$0x2];
	[bflag:$0x3] =	sbarrier.arrive $0xFFFF;
	s2 =	simm.s32 @!p0 $0x1C02  }
0x43: {  	[timem:s3], [sflag:s2] =	dma.local @!p0 [hbm:s0], s1  }
0x44: {  	s0 =	simm.s32 @!p0 $0x2  }
0x45: {  	_ =	swait.ge @!p0 [sflag:s0], s1  }
0x46: {  	s1 =	ssub.s32 @!p0 $0x0, s1;
	[sflag:s0] =	ssyncset.done @!p0 $0x0  }
0x47: {  	[sflag:s0] =	ssyncadd.s32 @!p0 s1  }
0x48: {  	[bflag:$0x3] =	sbarrier.arrive $0xFFFF  }
0x49: {  	_ =	shalt  }

// kernel: kernel.16.cloned.1.call-start
scs
__scs_entry_jumppad:
0x0: {  	(pc) =	sbr.rel $0x88, $3  }
0x1: {  	(tag) =	ssettag $0x0;
	lr =	simm.s32 $0x1  }
0x2: {  	[smem:$0x3F99] =	sst lr;
	_ =	strace $0xD0000000  }
0x3: {  	_ = 	snop  }
0x4: {  	_ = 	snop  }
0x5: {  	_ = 	snop  }
0x6: {  	_ = 	snop  }
0x7: {  	_ = 	snop  }
__scs_overlays_trampoline_lowered:
0x8: {  	[smem:$0x3FA8] =	sst s0  }
0x9: {  	[smem:$0x3FA9] =	sst s1  }
0xa: {  	[smem:$0x3FAA] =	sst s2  }
0xb: {  	[smem:$0x3FAB] =	sst s3  }
0xc: {  	[smem:$0x3FAC] =	sst s4  }
0xd: {  	[smem:$0x3FAD] =	sst s5  }
0xe: {  	[smem:$0x3FAE] =	sst s6  }
0xf: {  	[smem:$0x3FAF] =	sst s7  }
0x10: {  	[smem:$0x3FB0] =	sst s8  }
0x11: {  	[smem:$0x3FB1] =	sst s9;
	s0 =	simm.s32 @!p0 $0x0  }
0x12: {  	s1 =	sld [smem:$0x3F97];
	s0 =	simm.s32 @p0 $0x1  }
0x13: {  	[smem:$0x3FB2] =	sst s0;
	s0 =	simm.s32 @!p1 $0x0  }
0x14: {  	s2 =	sld [smem:$0x3F96];
	s0 =	simm.s32 @p1 $0x1  }
0x15: {  	[smem:$0x3FB3] =	sst s0;
	s0 =	simm.s32 @!p2 $0x0  }
0x16: {  	s3 =	sld [smem:$0x3FDB];
	s0 =	simm.s32 @p2 $0x1  }
0x17: {  	s4 =	simm.s32 $0x1BF5;
	[smem:$0x3FB5] =	sst s0  }
0x18: {  	s0 =	sld [smem:$0x3F98];
	_ =	swait.ge [sflag:s4], $0x0  }
0x19: {  	s7 =	sld [smem:$0x3F99]  }
0x1a: {  	s8 =	sadd.s32 $0xFFFFE003, lr  }
0x1b: {  	s9 =	sadd.s32 $0xFFFFFEF7, lr;
	s5 =	simm.s32 $0xFFFFFFFF;
	p2 =	slt.u32 s8, $0xFFFFF086  }
0x1c: {  	p1 =	slt.u32 s9, $0xF7A;
	s5 =	simm.s32 @!p2 $0x0  }
0x1d: {  	s5 =	simm.s32 @p1 $0x1;
	p0 =	seq.s32 s7, s2  }
0x1e: {  	s7 =	smul.u32 @!p0 $0xF7A, s2;
	p2 =	seq.s32 @!p0 s5, $0x0  }
0x1f: {  	s9 =	smul.u32 $0xF7A, s1;
	s8 =	simm.s32 @!p0 $0x1BF5;
	p2 =	por !p2, p0  }
0x20: {  	[sflag:s8] =	ssyncset.s32 @!p0 $0xFFFFF086;
	s6 =	sadd.s32 @!p0 s3, s7;
	s7 =	simm.s32 @!p0 $0x108  }
0x21: {  	s3 =	sadd.s32 s3, s9;
	s6 =	sadd.s32 @!p0 $0x88, s6;
	s7 =	simm.s32 @p2 $0x1082  }
0x22: {  	[simem:s7], [sflag:s8] =	dma.local @!p0 [hbm:s6], $0xF7A  }
0x23: {  	s9 =	sor.u32 $0xD0000000, s2;
	s6 =	simm.s32 $0x108;
	_ =	swait.ge @!p0 [sflag:s8], $0x0  }
0x24: {  	s3 =	sadd.s32 $0x88, s3;
	s6 =	simm.s32 @!p1 $0x1082;
	[sflag:s4] =	ssyncset.s32 $0xFFFFF086  }
0x25: {  	[simem:s6], [sflag:s4] =	dma.local [hbm:s3], $0xF7A  }
0x26: {  	[smem:$0x3F99] =	sst s1;
	(tag) =	ssettag s2;
	_ =	strace s9  }
0x27: {  	s1 =	sld [smem:$0x3FA9]  }
0x28: {  	s2 =	sld [smem:$0x3FAA]  }
0x29: {  	s4 =	sld [smem:$0x3FAC]  }
0x2a: {  	p0 =	seq.s32 s5, $0x0;
	s5 =	sld [smem:$0x3FAD]  }
0x2b: {  	s6 =	sld [smem:$0x3FAE]  }
0x2c: {  	s7 =	sld [smem:$0x3FAF]  }
0x2d: {  	s3 =	simm.s32 $0x108;
	s8 =	sld [smem:$0x3FB0]  }
0x2e: {  	s3 =	simm.s32 @!p0 $0x1082;
	s9 =	sld [smem:$0x3FB1]  }
0x2f: {  	lr =	sadd.s32 s0, s3;
	s0 =	sld [smem:$0x3FA8]  }
0x30: {  	s3 =	sld [smem:$0x3FAB]  }
0x31: {  	[smem:$0x3FB4] =	sst s10  }
0x32: {  	s10 =	sld [smem:$0x3FB2];
	_ =	sdelay $0x3  }
0x33: {  	p0 =	seq.s32 s10, $0x1;
	s10 =	sld [smem:$0x3FB4];
	_ =	sdelay $0x3  }
0x34: {  	[smem:$0x3FB4] =	sst s10  }
0x35: {  	s10 =	sld [smem:$0x3FB3];
	_ =	sdelay $0x3  }
0x36: {  	p1 =	seq.s32 s10, $0x1;
	s10 =	sld [smem:$0x3FB4];
	_ =	sdelay $0x3  }
0x37: {  	[smem:$0x3FB4] =	sst s10  }
0x38: {  	s10 =	sld [smem:$0x3FB5]  }
0x39: {  	_ = 	snop;
	(pc) =	sbr.ind lr, $3  }
0x3a: {  	_ = 	snop  }
0x3b: {  	_ = 	snop  }
0x3c: {  	p2 =	seq.s32 s10, $0x1;
	s10 =	sld [smem:$0x3FB4]  }
0x3d: {  	_ =	shalt  }
0x3e: {  	_ =	shalt  }
0x3f: {  	_ =	shalt  }
0x40: {  	_ =	shalt  }
0x41: {  	_ =	shalt  }
0x42: {  	_ =	shalt  }
0x43: {  	_ =	shalt  }
0x44: {  	_ =	shalt  }
0x45: {  	_ =	shalt  }
0x46: {  	_ =	shalt  }
0x47: {  	_ =	shalt  }
0x48: {  	_ =	shalt  }
0x49: {  	_ =	shalt  }
0x4a: {  	_ =	shalt  }
0x4b: {  	_ =	shalt  }
0x4c: {  	_ =	shalt  }
0x4d: {  	_ =	shalt  }
0x4e: {  	_ =	shalt  }
0x4f: {  	_ =	shalt  }
0x50: {  	_ =	shalt  }
0x51: {  	_ =	shalt  }
0x52: {  	_ =	shalt  }
0x53: {  	_ =	shalt  }
0x54: {  	_ =	shalt  }
0x55: {  	_ =	shalt  }
0x56: {  	_ =	shalt  }
0x57: {  	_ =	shalt  }
0x58: {  	_ =	shalt  }
0x59: {  	_ =	shalt  }
0x5a: {  	_ =	shalt  }
0x5b: {  	_ =	shalt  }
0x5c: {  	_ =	shalt  }
0x5d: {  	_ =	shalt  }
0x5e: {  	_ =	shalt  }
0x5f: {  	_ =	shalt  }
0x60: {  	_ =	shalt  }
0x61: {  	_ =	shalt  }
0x62: {  	_ =	shalt  }
0x63: {  	_ =	shalt  }
0x64: {  	_ =	shalt  }
0x65: {  	_ =	shalt  }
0x66: {  	_ =	shalt  }
0x67: {  	_ =	shalt  }
0x68: {  	_ =	shalt  }
0x69: {  	_ =	shalt  }
0x6a: {  	_ =	shalt  }
0x6b: {  	_ =	shalt  }
0x6c: {  	_ =	shalt  }
0x6d: {  	_ =	shalt  }
0x6e: {  	_ =	shalt  }
0x6f: {  	_ =	shalt  }
0x70: {  	_ =	shalt  }
0x71: {  	_ =	shalt  }
0x72: {  	_ =	shalt  }
0x73: {  	_ =	shalt  }
0x74: {  	_ =	shalt  }
0x75: {  	_ =	shalt  }
0x76: {  	_ =	shalt  }
0x77: {  	_ =	shalt  }
0x78: {  	_ =	shalt  }
0x79: {  	_ =	shalt  }
0x7a: {  	_ =	shalt  }
0x7b: {  	_ =	shalt  }
0x7c: {  	_ =	shalt  }
0x7d: {  	_ =	shalt  }
0x7e: {  	_ =	shalt  }
0x7f: {  	_ =	shalt  }
0x80: {  	_ =	shalt  }
0x81: {  	_ =	shalt  }
0x82: {  	_ =	shalt  }
0x83: {  	_ =	shalt  }
0x84: {  	_ =	shalt  }
0x85: {  	_ =	shalt  }
0x86: {  	_ =	shalt  }
0x87: {  	_ =	shalt  }
.Lfunc_end0:
.L_simem_size_0:
called_computation.2_lowered:
.L_overlay_start_0:
0x88: {  	s2 =	sld [smem:$0x3FD9]  }
0x89: {  	s3 =	sld [smem:$0x3FFE];
	_ =	sdelay $0x1  }
0x8a: {  	s1 =	srdreg.scid  }
0x8b: {  	s0 =	sand.u32 $0x1, s1  }
0x8c: {  	s17 =	sshll.u32 s0, $0xA;
	s2 =	sadd.s32 s3, s2  }
0x8d: {  	s2 =	sadd.s32 s2, s17  }
0x8e: {  	[smem:$0x3FC0] =	sst s2  }
0x8f: {  	_ = 	snop  }
0x90: {  	s2 =	sld [smem:$0x3FD0];
	(tm) =	ssettm $0x1  }
0x91: {  	s18 =	sld [smem:$0x3FFB];
	_ =	sdelay $0x3  }
0x92: {  	_ =	strace s18  }
0x93: {  	s3 =	sld [smem:$0x3FFC];
	_ =	sdelay $0x3  }
0x94: {  	_ =	strace s3  }
0x95: {  	s3 =	sld [smem:$0x3FFD];
	_ =	sdelay $0x3  }
0x96: {  	_ =	strace s3  }
0x97: {  	_ =	strace $0x8FFFFFFF  }
0x98: {  	s19 =	sld [smem:$0x3FDB];
	_ =	sdelay $0x1  }
0x99: {  	s4 =	simm.s32 $_scs_section_size  }
0x9a: {  	s5 =	simm.s32 $_size__tile_overlayer_lowered;
	s6 =	simm.s32 $_tile_overlayer_lowered  }
0x9b: {  	s22 =	simm.s32 $0x1BFF;
	s21 =	sshll.u32 s6, $0x1;
	s3 =	sadd.s32 s4, s19  }
0x9c: {  	s7 =	simm.s32 $0x0;
	s20 =	sshll.u32 s5, $0x1;
	s5 =	sadd.s32 s21, s3  }
0x9d: {  	[timem:s7], [sflag:s22] =	dma.local [hbm:s5], s20  }
0x9e: {  	_ =	swait.ge [sflag:s22], s20  }
0x9f: {  	s4 =	ssub.s32 $0x0, s20;
	[sflag:s22] =	ssyncset.done $0x0  }
0xa0: {  	[sflag:s22] =	ssyncadd.s32 s4;
	_ =	sdelay $0x1  }
0xa1: {  	s23 =	simm.s32 $0x1B8B  }
0xa2: {  	_ =	swait.ge [sflag:s23], $0x1  }
0xa3: {  	[sflag:s23] =	ssyncset.done $0x0  }
0xa4: {  	s25 =	simm.s32 $0x1B8E;
	s24 =	sld [smem:$0x3FFE];
	[sflag:s23] =	ssyncadd.s32 $0xFFFFFFFF  }
0xa5: {  	s26 =	simm.s32 $execute0_lowered;
	[smem:$0x3FD2] =	sst s25  }
0xa6: {  	s5 =	sshll.u32 s26, $0x1;
	_ =	strace $0x8000004C;
	[dreg:$0x1] =	wrdreg $0xFFFFFFFF  }
0xa7: {  	s28 =	simm.s32 $_size_execute0_lowered;
	s3 =	sadd.s32 s3, s5;
	[dreg:$0x0] =	wrdreg $0x0  }
0xa8: {  	s5 =	sshll.u32 s28, $0x1;
	[dreg:$0x2] =	wrdreg s3  }
0xa9: {  	[dreg:$0x3] =	wrdreg s5  }
0xaa: {  	[dreg:$0x4] =	wrdreg $0xC0  }
0xab: {  	_ =	task [dreg:s7], $0x5FFFF  }
0xac: {  	[dreg:$0x1] =	wrdreg $0xFFFFFFFF  }
0xad: {  	[dreg:$0x0] =	wrdreg $0x60  }
0xae: {  	[dreg:$0x2] =	wrdreg s24  }
0xaf: {  	[dreg:$0x3] =	wrdreg s2  }
0xb0: {  	[dreg:$0x4] =	wrdreg $0x90000  }
0xb1: {  	[dreg:$0x5] =	wrdreg $0x9  }
0xb2: {  	_ =	task.clear_ibuf [dreg:s7], $0x6FFFF;
	_ =	strace $0x9000004C  }
0xb3: {  	s29 =	simm.s32 $0x9;
	_ =	strace $0x8000004E  }
0xb4: {  	_ =	swait.ge [sflag:s29], $0x1  }
0xb5: {  	[sflag:s29] =	ssyncadd.s32 $0xFFFFFFFF  }
0xb6: {  	_ =	strace $0x9000004E  }
0xb7: {  	_ =	sfence  }
0xb8: {  	s30 =	sld [smem:$0x0];
	_ =	sdelay $0x2  }
0xb9: {  	s31 =	sshll.u32 s1, $0xD;
	s1 =	sshrl.u32 s1, $0x2  }
0xba: {  	s3 =	sand.u32 $0x4000, s31;
	s1 =	sadd.s32 s1, s30  }
0xbb: {  	s0 =	sor.u32 s3, s0;
	s1 =	sshll.u32 s1, $0x11  }
0xbc: {  	s0 =	sor.u32 s1, s0  }
0xbd: {  	s0 =	sadd.s32 $0x8F2B, s0  }
0xbe: {  	[sflag:s0] =	ssyncadd.remote.s32 $0x1  }
0xbf: {  	_ =	sfence.sel $0xFFFF  }
0xc0: {  	[dreg:$0x0] =	wrdreg $0xFFFFFFFF;
	(pc) =	sbr.abs _section_cstart, $3  }
0xc1: {  	[dreg:$0x1] =	wrdreg $0xFFFFFFFF  }
0xc2: {  	_ =	task.clear_ibuf [dreg:s7], $0x2FFFF;
	_ =	strace $0x9FFFFFFF  }
0xc3: {  	(tm) =	ssettm $0x7FFFFFFF  }
tec
execute0_lowered:
.L_overlay_start_1:
0x0: {  	(tag) =	ssettag $0x1  }
0x1: {  	s6 =	rddreg [dreg:$0x0]  }
0x2: {  	s0 =	srdreg.scid;
	s8 =	rddreg [dreg:$0x1]  }
0x3: {  	s2 =	rddreg [dreg:$0x2];
	s3 =	simm.s32 $0x0;
	s14 =	simm.s32 $0x80  }
0x4: {  	s15 =	simm.s32 $0x5000;
	s7 =	sand.u32 $0x1, s0;
	s0 =	stileid.u32  }
0x5: {  	s16 =	simm.s32 $0x1;
	s17 =	simm.s32 $0x0;
	s10 =	smul.u32 $0x2780, s0  }
0x6: {  	[smem:$0x7FF] =	sst s3;
	s5 =	sadd.s32 $0x35600, s6;
	s11 =	smul.u32 $0x27800, s7  }
0x7: {  	s1 =	sshll.u32 s7, $0x4;
	s13 =	smul.u32 $0x4F000, s0;
	s7 =	ssub.s32 $0x2, s7  }
0x8: {  	s31 =	sshll.u32 s0, $0x6;
	s4 =	sor.u32 s0, s1;
	s1 =	rddreg [dreg:$0x3]  }
0x9: {  	_ =	strace $0x8000004D;
	s28 =	sshrl.u32 s7, $0x1;
	s9 =	smul.u32 $0x500, s4  }
0xa: {  	s4 =	sadd.s32 $0xE000, s6;
	s10 =	sadd.s32 s10, s11;
	s29 =	sshrl.u32 s13, $0x2  }
0xb: {  	s30 =	ssub.s32 s7, s28;
	s13 =	simm.s32 $0x2800;
	s10 =	sadd.s32 s10, s6  }
0xc: {  	s11 =	sadd.s32 s29, s2;
	s12 =	sadd.s32 s9, s6;
	s6 =	sor.u32 $0x1C02, s31  }
0xd: {  	s7 =	sadd.s32 s8, s9;
	s9 =	sadd.s32 $0x86200, s10;
	s10 =	smax.u32 s30, $0x1  }
0xe: {  	s11 =	sshrl.u32 s11, $0x3;
	s8 =	sadd.s32 $0x4000, s12;
	s12 =	simm.s32 $0x2  }
.LBB2_1:
0xf: {  	[spmem:s11], [sflag:s6] =	dma.local [hbm:s5], $0x2780  }
0x10: {  	_ =	swait.ge [sflag:s12], $0x2780  }
0x11: {  	[sflag:s12] =	ssyncset.done $0x0  }
0x12: {  	[sflag:s12] =	ssyncadd.s32 $0xFFFFD880  }
0x13: {  	[tilespmem:s3], [sflag:$0x2] =	stream.linear.gather [hbm4b:s7+s3], $0x2780, $0x38;
	[tilespmem:$0x1CC00] =	vst v63  }
0x14: {  	_ =	swait.ge [sflag:s12], $0x2780  }
0x15: {  	[sflag:s12] =	ssyncset.done $0x0  }
0x16: {  	[sflag:s12] =	ssyncadd.s32 $0xFFFFD880  }
0x17: {  	[tilespmem:s13], [sflag:$0x2] =	stream.linear.gather [hbm4b:s8+s3], $0x2780, $0x38;
	[tilespmem:$0x1CC00] =	vst v63  }
0x18: {  	_ =	swait.ge [sflag:s12], $0x2780  }
0x19: {  	[sflag:s12] =	ssyncset.done $0x0  }
0x1a: {  	[sflag:s12] =	ssyncadd.s32 $0xFFFFD880  }
0x1b: {  	s18 =	simm.s32 $0x0;
	[bflag:$0x0] =	sbarrier.arrive $0xFFFF  }
0x1c: {  	[tilespmem:s15], [sflag:$0x1] =	stream.indirect.gather [hbm4b:s4+s14], $0x80, s18, s14, $0xb8;
	[tilespmem:$0x1CC00] =	vst v63  }
0x1d: {  	_ =	swait.ge [sflag:s16], $0x4000  }
0x1e: {  	[sflag:s16] =	ssyncset.done $0x0  }
0x1f: {  	s31 =	simm.s32 $0x2800;
	[sflag:s16] =	ssyncadd.s32 $0xFFFFC000  }
0x20: {  	[spmem:s2] =	stream.indirect.scatter.add.f32 [tilespmem:s15], [sflag:$0x2], $0x80, s31, s14, $0xb8;
	[tilespmem:$0x1CC00] =	vst v63  }
0x21: {  	_ =	swait.ge [sflag:s12], $0x4000  }
0x22: {  	s19 =	simm.s32 $0x400;
	s18 =	simm.s32 $0x200;
	[sflag:s12] =	ssyncset.done $0x0  }
.LBB2_2:
0x23: {  	s20 =	sshra.s32 s18, $0x2  }
0x24: {  	[sflag:s12] =	ssyncadd.s32 $0xFFFFC000;
	s18 =	smov.u32 s19;
	s21 =	sadd.s32 $0x200, s19  }
0x25: {  	[tilespmem:s15], [sflag:$0x1] =	stream.indirect.gather [hbm4b:s4+s14], $0x80, s20, s14, $0xb8;
	[tilespmem:$0x1CC00] =	vst v63  }
0x26: {  	p0 =	sne.s32 s19, $0x9C00;
	_ =	swait.ge [sflag:s16], $0x4000  }
.Ltmp0:
0x27: {  	[sflag:s16] =	ssyncset.done $0x0;
	(pc) =	sbr.rel @p0 .LBB2_2-.Ltmp0, $4  }
0x28: {  	s19 =	sadd.s32 $0x2800, s20;
	[sflag:s16] =	ssyncadd.s32 $0xFFFFC000  }
0x29: {  	[spmem:s2] =	stream.indirect.scatter.add.f32 [tilespmem:s15], [sflag:$0x2], $0x80, s19, s14, $0xb8;
	[tilespmem:$0x1CC00] =	vst v63  }
0x2a: {  	_ =	swait.ge [sflag:s12], $0x4000  }
0x2b: {  	s19 =	smov.u32 s21;
	[sflag:s12] =	ssyncset.done $0x0  }
0x2c: {  	s18 =	sshra.s32 s18, $0x2;
	[sflag:s12] =	ssyncadd.s32 $0xFFFFC000  }
0x2d: {  	[tilespmem:s15], [sflag:$0x1] =	stream.indirect.gather [hbm4b:s4+s14], $0x80, s18, s14, $0xb8;
	[tilespmem:$0x1CC00] =	vst v63  }
0x2e: {  	_ =	swait.ge [sflag:s16], $0x4000  }
0x2f: {  	[sflag:s16] =	ssyncset.done $0x0  }
0x30: {  	s18 =	sadd.s32 $0x2800, s18;
	[sflag:s16] =	ssyncadd.s32 $0xFFFFC000  }
0x31: {  	[spmem:s2] =	stream.indirect.scatter.add.f32 [tilespmem:s15], [sflag:$0x2], $0x80, s18, s14, $0xb8;
	[tilespmem:$0x1CC00] =	vst v63  }
0x32: {  	_ =	swait.ge [sflag:s12], $0x4000  }
0x33: {  	s17 =	sadd.s32 $0x1, s17;
	[sflag:s12] =	ssyncset.done $0x0  }
0x34: {  	p0 =	sne.s32 s17, s10;
	[sflag:s12] =	ssyncadd.s32 $0xFFFFC000  }
.Ltmp1:
0x35: {  	[bflag:$0x0] =	sbarrier.arrive $0xFFFF;
	(pc) =	sbr.rel @p0 .LBB2_1-.Ltmp1, $4  }
0x36: {  	[hbm:s9], [sflag:s6] =	dma.local [spmem:s11], $0x2780  }
0x37: {  	_ =	swait.ge [sflag:s12], $0x2780  }
0x38: {  	[sflag:s12] =	ssyncset.done $0x0  }
0x39: {  	[sflag:s12] =	ssyncadd.s32 $0xFFFFD880  }
0x3a: {  	_ =	sfence.sel $0x180000  }
0x3b: {  	[bflag:$0x0] =	sbarrier.arrive $0xFFFF  }
0x3c: {  	p0 =	sne.s32 s0, $0x0;
	_ =	strace $0x9000004D  }
0x3d: {  	s0 =	sadd.s32 @!p0 $0x100000, s1;
	[bflag:$0x2] =	sbarrier.arrive $0xFFFF  }
0x3e: {  	[sflag:s0] =	ssyncadd.tile.s32 @!p0 $0x1;
	_ =	shalt  }
.Lfunc_end2:
_tile_overlayer_lowered:
.L_overlay_start_2:
0x3f: {  	(tag) =	ssettag $0x2  }
0x40: {  	s0 =	rddreg [dreg:$0x0];
	s2 =	stileid.u32  }
0x41: {  	s1 =	rddreg [dreg:$0x1];
	p0 =	sne.s32 s2, $0x0  }
0x42: {  	s3 =	rddreg [dreg:$0x2];
	[bflag:$0x3] =	sbarrier.arrive $0xFFFF;
	s2 =	simm.s32 @!p0 $0x1C02  }
0x43: {  	[timem:s3], [sflag:s2] =	dma.local @!p0 [hbm:s0], s1  }
0x44: {  	s0 =	simm.s32 @!p0 $0x2  }
0x45: {  	_ =	swait.ge @!p0 [sflag:s0], s1  }
0x46: {  	s1 =	ssub.s32 @!p0 $0x0, s1;
	[sflag:s0] =	ssyncset.done @!p0 $0x0  }
0x47: {  	[sflag:s0] =	ssyncadd.s32 @!p0 s1  }
0x48: {  	[bflag:$0x3] =	sbarrier.arrive $0xFFFF  }
0x49: {  	_ =	shalt  }

</sc_bundles>
